<compile_context>
chip_gen: v7x
topology: tpu7x:2x2x1
jax: 0.10.2.dev20260603
libtpu: 0.0.44.dev20260713+nightly
codegen_flags: <defaults>
</compile_context>

<pallas_src>
import functools

import jax
import jax.numpy as jnp
from jax import lax
from jax.experimental import pallas as pl
from jax.experimental.pallas import tpu as pltpu
from jax.experimental.pallas import tpu_sc as plsc

N = 10000
D = 128
E = 160000
R = 2
L = 16
NS = 16
N_PAD = 10240
ROWS_PER_SUB = N_PAD // NS
E_PER_SUB = E // NS
CHUNK = 80
NCHUNK = E_PER_SUB // CHUNK
NMAIN = ((NCHUNK - 2) // 3) * 3


def _sc_segment_sum(x, src0, dst0, src1, dst1):
    mesh = plsc.VectorSubcoreMesh(core_axis_name="c", subcore_axis_name="s")

    @functools.partial(
        pl.kernel,
        out_type=(jax.ShapeDtypeStruct((R, N_PAD, D), jnp.float32),
                  jax.ShapeDtypeStruct((R, N_PAD), jnp.float32)),
        mesh=mesh,
        scratch_types=[
            pltpu.VMEM((E_PER_SUB,), jnp.int32),
            pltpu.VMEM((CHUNK,), jnp.int32),
            pltpu.VMEM((CHUNK,), jnp.int32),
            pltpu.VMEM((CHUNK,), jnp.int32),
            pltpu.VMEM((CHUNK, D), jnp.float32),
            pltpu.VMEM((CHUNK, D), jnp.float32),
            pltpu.VMEM((CHUNK, D), jnp.float32),
            pltpu.VMEM((CHUNK,), jnp.float32),
            pltpu.VMEM((CHUNK,), jnp.float32),
            pltpu.VMEM_SHARED((N_PAD, D), jnp.float32),
            pltpu.VMEM_SHARED((N_PAD,), jnp.float32),
            pltpu.SemaphoreType.DMA,
            pltpu.SemaphoreType.DMA,
            pltpu.SemaphoreType.DMA,
            pltpu.SemaphoreType.DMA,
            pltpu.SemaphoreType.DMA,
            pltpu.SemaphoreType.DMA,
        ],
    )
    def sc_kernel(x_hbm, src0_hbm, dst0_hbm, src1_hbm, dst1_hbm,
                  out_hbm, deg_hbm,
                  src_v, dstb0, dstb1, dstb2, rows0, rows1, rows2,
                  ones_v, zeros_v, acc_sh, deg_sh,
                  sg0, sg1, sg2, sd0, sd1, sd2):
        c = lax.axis_index("c")
        s = lax.axis_index("s")
        ebase = s * E_PER_SUB

        one = jnp.full((L,), 1.0, jnp.float32)
        zero = jnp.zeros((L,), jnp.float32)

        @pl.loop(0, CHUNK, step=L)
        def _(i):
            ones_v[pl.ds(i, L)] = one
            zeros_v[pl.ds(i, L)] = zero

        @pl.loop(0, 64)
        def _(i):
            @pl.loop(0, D, step=L)
            def _(j):
                rows0[i, pl.ds(j, L)] = zero

        row0 = s * ROWS_PER_SUB

        @pl.loop(0, ROWS_PER_SUB, step=64)
        def _(r0):
            pltpu.sync_copy(rows0.at[pl.ds(0, 64)],
                            acc_sh.at[pl.ds(row0 + r0, 64)])
            pltpu.sync_copy(zeros_v.at[pl.ds(0, 64)],
                            deg_sh.at[pl.ds(row0 + r0, 64)])

        plsc.subcore_barrier()

        def run_relation(src_hbm, dst_hbm):
            pltpu.async_copy(
                src_hbm.at[pl.ds(ebase, E_PER_SUB)], src_v, sg0).wait()

            def gather(k, buf, sem):
                return pltpu.make_async_copy(
                    x_hbm.at[src_v.at[pl.ds(k * CHUNK, CHUNK)]], buf, sem)

            def dstcp(k, buf, sem):
                return pltpu.make_async_copy(
                    dst_hbm.at[pl.ds(ebase + k * CHUNK, CHUNK)], buf, sem)

            def consume(k, buf, dbuf, sg, sd):
                gather(k, buf, sg).wait()
                dstcp(k, dbuf, sd).wait()
                pltpu.sync_copy(buf, acc_sh.at[dbuf], add=True)
                pltpu.sync_copy(ones_v, deg_sh.at[dbuf], add=True)

            def prefetch(k, buf, dbuf, sg, sd):
                @pl.when(k < NCHUNK)
                def _():
                    dstcp(k, dbuf, sd).start()
                    gather(k, buf, sg).start()

            dstcp(0, dstb0, sd0).start()
            gather(0, rows0, sg0).start()
            dstcp(1, dstb1, sd1).start()
            gather(1, rows1, sg1).start()

            @pl.loop(0, NMAIN, step=3)
            def _(a):
                prefetch(a + 2, rows2, dstb2, sg2, sd2)
                consume(a, rows0, dstb0, sg0, sd0)
                prefetch(a + 3, rows0, dstb0, sg0, sd0)
                consume(a + 1, rows1, dstb1, sg1, sd1)
                prefetch(a + 4, rows1, dstb1, sg1, sd1)
                consume(a + 2, rows2, dstb2, sg2, sd2)

            consume(NMAIN, rows0, dstb0, sg0, sd0)
            consume(NMAIN + 1, rows1, dstb1, sg1, sd1)

        @pl.when(c == 0)
        def _():
            run_relation(src0_hbm, dst0_hbm)

        @pl.when(c == 1)
        def _():
            run_relation(src1_hbm, dst1_hbm)

        plsc.subcore_barrier()

        pltpu.sync_copy(acc_sh.at[pl.ds(row0, ROWS_PER_SUB)],
                        out_hbm.at[c, pl.ds(row0, ROWS_PER_SUB)])
        pltpu.sync_copy(deg_sh.at[pl.ds(row0, ROWS_PER_SUB)],
                        deg_hbm.at[c, pl.ds(row0, ROWS_PER_SUB)])

    return sc_kernel(x, src0, dst0, src1, dst1)


_BR = 1000
_DN = (((1,), (0,)), ((), ()))
_HP = lax.Precision.HIGHEST
_EB = 16384


def _detile_body(e0_ref, e1_ref, s0_ref, d0_ref, s1_ref, d1_ref):
    s0_ref[...] = e0_ref[0]
    d0_ref[...] = e0_ref[1]
    s1_ref[...] = e1_ref[0]
    d1_ref[...] = e1_ref[1]


def _detile(ei0, ei1):
    out1d = jax.ShapeDtypeStruct((E,), jnp.int32)
    return pl.pallas_call(
        _detile_body,
        grid=((E + _EB - 1) // _EB,),
        in_specs=[
            pl.BlockSpec((2, _EB), lambda i: (0, i)),
            pl.BlockSpec((2, _EB), lambda i: (0, i)),
        ],
        out_specs=[pl.BlockSpec((_EB,), lambda i: (i,))] * 4,
        out_shape=[out1d] * 4,
    )(ei0, ei1)


def _tc_pre_body(x_ref, lw_ref, b_ref, o_ref):
    o_ref[...] = lax.dot_general(
        x_ref[...], lw_ref[...], _DN, precision=_HP) + b_ref[...]


def _tc_pre(x, loop_w, h_bias_row):
    return pl.pallas_call(
        _tc_pre_body,
        grid=(N // _BR,),
        in_specs=[
            pl.BlockSpec((_BR, D), lambda i: (i, 0)),
            pl.BlockSpec((D, D), lambda i: (0, 0)),
            pl.BlockSpec((1, D), lambda i: (0, 0)),
        ],
        out_specs=pl.BlockSpec((_BR, D), lambda i: (i, 0)),
        out_shape=jax.ShapeDtypeStruct((N, D), jnp.float32),
    )(x, loop_w, h_bias_row)


def _tc_post_body(s_hbm, deg_ref, p_ref, w0_ref, w1_ref, o_ref,
                  s0_v, s1_v, sem0, sem1):
    i = pl.program_id(0)
    cp0 = pltpu.make_async_copy(
        s_hbm.at[0, pl.ds(i * _BR, _BR)], s0_v, sem0)
    cp1 = pltpu.make_async_copy(
        s_hbm.at[1, pl.ds(i * _BR, _BR)], s1_v, sem1)
    cp0.start()
    cp1.start()
    d0 = jnp.maximum(deg_ref[0], 1.0)
    d1 = jnp.maximum(deg_ref[1], 1.0)
    cp0.wait()
    acc = lax.dot_general(s0_v[...], w0_ref[...], _DN, precision=_HP) / d0
    cp1.wait()
    acc = acc + lax.dot_general(s1_v[...], w1_ref[...], _DN, precision=_HP) / d1
    o_ref[...] = jnp.tanh(acc + p_ref[...])


def _tc_post(S, deg3, P, W0, W1):
    return pl.pallas_call(
        _tc_post_body,
        grid=(N // _BR,),
        in_specs=[
            pl.BlockSpec(memory_space=pl.ANY),
            pl.BlockSpec((R, _BR, 1), lambda i: (0, i, 0)),
            pl.BlockSpec((_BR, D), lambda i: (i, 0)),
            pl.BlockSpec((D, D), lambda i: (0, 0)),
            pl.BlockSpec((D, D), lambda i: (0, 0)),
        ],
        out_specs=pl.BlockSpec((_BR, D), lambda i: (i, 0)),
        out_shape=jax.ShapeDtypeStruct((N, D), jnp.float32),
        scratch_shapes=[
            pltpu.VMEM((_BR, D), jnp.float32),
            pltpu.VMEM((_BR, D), jnp.float32),
            pltpu.SemaphoreType.DMA,
            pltpu.SemaphoreType.DMA,
        ],
    )(S, deg3, P, W0, W1)


def kernel(x, W, loop_weight, h_bias, edge_index_rel0, edge_index_rel1):
    src0, dst0, src1, dst1 = _detile(edge_index_rel0, edge_index_rel1)
    P = _tc_pre(x, loop_weight, h_bias.reshape(1, D))
    S, deg = _sc_segment_sum(x, src0, dst0, src1, dst1)
    deg3 = deg.reshape(R, N_PAD, 1)
    return _tc_post(S, deg3, P, W[0], W[1])

# --- scband reference (transcript-rebuilt; emitter-appended) ---
"""Pipeline reference for scband-gcngraph-conv-layer-12240656794081 (READ-ONLY COPY).

The authoritative reference and input builder live on the scoring server;
editing this copy changes nothing except your own understanding.
"""

import jax, jax.numpy as jnp
import numpy as np
import math

N = 10000
D_IN = 128
D_OUT = 128
E = 160000
R = 2


def setup_inputs(seed: int = 0) -> dict:
    key = jax.random.key(seed)
    k1, k2, k3, k4, k5 = jax.random.split(key, 5)
    x = jax.random.normal(k1, (N, D_IN), dtype=jnp.float32)
    edge_index_rel0 = jax.random.randint(k2, (2, E), 0, N, dtype=jnp.int32)
    edge_index_rel1 = jax.random.randint(k3, (2, E), 0, N, dtype=jnp.int32)
    # xavier_uniform with gain = calculate_gain('relu') = sqrt(2)
    bound_w = math.sqrt(2.0) * math.sqrt(6.0 / (D_IN + D_OUT))
    W = jax.random.uniform(k4, (R, D_IN, D_OUT), minval=-bound_w, maxval=bound_w, dtype=jnp.float32)
    loop_weight = jax.random.uniform(k5, (D_IN, D_OUT), minval=-bound_w, maxval=bound_w, dtype=jnp.float32)
    h_bias = jnp.zeros((D_OUT,), dtype=jnp.float32)
    return {
        'x': x,
        'W': W,
        'loop_weight': loop_weight,
        'h_bias': h_bias,
        'edge_index_rel0': edge_index_rel0,
        'edge_index_rel1': edge_index_rel1,
    }


def reference(x, W, loop_weight, h_bias, edge_index_rel0, edge_index_rel1):
    # RGCN-style layer: per-relation GraphConv(norm='right', weight=W_r),
    # HeteroGraphConv default 'sum' aggregation across relations,
    # then self-loop, bias, tanh activation, dropout(p=0)=identity.
    edge_lists = [edge_index_rel0, edge_index_rel1]
    h = jnp.zeros((N, D_OUT), dtype=x.dtype)
    for r in range(R):
        src = edge_lists[r][0]
        dst = edge_lists[r][1]
        # GraphConv: transform then aggregate (math-equivalent either order)
        m = jnp.take(x, src, axis=0) @ W[r]          # gather + matmul
        agg = jnp.zeros((N, D_OUT), dtype=x.dtype).at[dst].add(m)  # scatter-add
        # norm='right': divide by in-degree, clamped to min 1 (DGL semantics)
        deg = jnp.zeros((N,), dtype=x.dtype).at[dst].add(1.0)
        deg = jnp.maximum(deg, 1.0)
        h = h + agg / deg[:, None]
    h = h + x @ loop_weight
    h = h + h_bias
    h = jnp.tanh(h)
    return h

if __name__ == "__main__":
    import jax
    _d = setup_inputs()
    print(jax.jit(kernel)(*tuple(_d.values())))

</pallas_src>

<mosaic_0001>
#map = affine_map<(d0, d1) -> (0, 0)>
#map1 = affine_map<(d0, d1) -> (0)>
#map2 = affine_map<(d0, d1) -> (0, 0, 0)>
module attributes {stable_mosaic.version = 14 : i64} {
  func.func @sc_kernel(%arg0: i32, %arg1: i32, %arg2: memref<10000x128xf32, #tpu.memory_space<hbm>>, %arg3: memref<160000xi32, #tpu.memory_space<hbm>>, %arg4: memref<160000xi32, #tpu.memory_space<hbm>>, %arg5: memref<160000xi32, #tpu.memory_space<hbm>>, %arg6: memref<160000xi32, #tpu.memory_space<hbm>>, %arg7: memref<2x10240x128xf32, #tpu.memory_space<hbm>>, %arg8: memref<2x10240xf32, #tpu.memory_space<hbm>>, %arg9: memref<10000xi32, #tpu.memory_space<vmem>>, %arg10: memref<80xi32, #tpu.memory_space<vmem>>, %arg11: memref<80xi32, #tpu.memory_space<vmem>>, %arg12: memref<80xi32, #tpu.memory_space<vmem>>, %arg13: memref<80x128xf32, #tpu.memory_space<vmem>>, %arg14: memref<80x128xf32, #tpu.memory_space<vmem>>, %arg15: memref<80x128xf32, #tpu.memory_space<vmem>>, %arg16: memref<80xf32, #tpu.memory_space<vmem>>, %arg17: memref<80xf32, #tpu.memory_space<vmem>>, %arg18: memref<10240x128xf32, #tpu.memory_space<vmem_shared>>, %arg19: memref<10240xf32, #tpu.memory_space<vmem_shared>>, %arg20: memref<!tpu.dma_semaphore, #tpu.memory_space<semaphore_mem>>, %arg21: memref<!tpu.dma_semaphore, #tpu.memory_space<semaphore_mem>>, %arg22: memref<!tpu.dma_semaphore, #tpu.memory_space<semaphore_mem>>, %arg23: memref<!tpu.dma_semaphore, #tpu.memory_space<semaphore_mem>>, %arg24: memref<!tpu.dma_semaphore, #tpu.memory_space<semaphore_mem>>, %arg25: memref<!tpu.dma_semaphore, #tpu.memory_space<semaphore_mem>>) attributes {dimension_semantics = [#tpu.dimension_semantics<core_parallel>, #tpu.dimension_semantics<subcore_parallel>], iteration_bounds = array<i64: 2, 16>, scalar_prefetch = 0 : i64, scratch_operands = 17 : i64, tpu.core_type = #tpu.core_type<sc_vector_subcore>, window_params = [{transform_indices = #map}, {transform_indices = #map1}, {transform_indices = #map1}, {transform_indices = #map1}, {transform_indices = #map1}, {transform_indices = #map2}, {transform_indices = #map}]} {
    %mul3A = arith.constant 10000 : i32
    %mul3A_0 = arith.muli %arg1, %mul3A : i32
    %broadcast_in_dim3A = arith.constant 1.000000e+00 : f32
    %broadcast_in_dim3A_1 = vector.broadcast %broadcast_in_dim3A : f32 to vector<16xf32>
    %broadcast_in_dim3A_2 = arith.constant 0.000000e+00 : f32
    %broadcast_in_dim3A_3 = vector.broadcast %broadcast_in_dim3A_2 : f32 to vector<16xf32>
    %scan3A = arith.constant 0 : i32
    %scan3A_4 = arith.constant 5 : i32
    %scan3A_5 = arith.addi %scan3A, %scan3A_4 : i32
    %scan3A_6 = arith.constant 1 : i32
    scf.for %scan3A_28 = %scan3A to %scan3A_5 step %scan3A_6  : i32 {
      %mul3A_29 = arith.constant 16 : i32
      %mul3A_30 = arith.muli %scan3A_28, %mul3A_29 : i32
      %add3A = arith.constant 0 : i32
      %add3A_31 = arith.addi %add3A, %mul3A_30 : i32
      %swap3A = arith.index_cast %add3A_31 : i32 to index
      %swap3A_32 = tpu.vector_load %arg16[%swap3A] {strides = array<i32>} : memref<80xf32, #tpu.memory_space<vmem>>, vector<16xf32>,
      %swap3A_33 = vector.shape_cast %swap3A_32 : vector<16xf32> to vector<16xf32>
      %swap3A_34 = vector.shape_cast %broadcast_in_dim3A_1 : vector<16xf32> to vector<16xf32>
      tpu.vector_store %arg16[%swap3A], %swap3A_34 {strides = array<i32>} : memref<80xf32, #tpu.memory_space<vmem>>, vector<16xf32>,
      %swap3A_35 = arith.index_cast %add3A_31 : i32 to index
      %swap3A_36 = tpu.vector_load %arg17[%swap3A_35] {strides = array<i32>} : memref<80xf32, #tpu.memory_space<vmem>>, vector<16xf32>,
      %swap3A_37 = vector.shape_cast %swap3A_36 : vector<16xf32> to vector<16xf32>
      %swap3A_38 = vector.shape_cast %broadcast_in_dim3A_3 : vector<16xf32> to vector<16xf32>
      tpu.vector_store %arg17[%swap3A_35], %swap3A_38 {strides = array<i32>} : memref<80xf32, #tpu.memory_space<vmem>>, vector<16xf32>,
    }
    %scan3A_7 = arith.constant 5 : i32
    %scan3A_8 = arith.constant 0 : i32
    %scan3A_9 = arith.constant 64 : i32
    %scan3A_10 = arith.addi %scan3A_8, %scan3A_9 : i32
    %scan3A_11 = arith.constant 1 : i32
    scf.for %scan3A_28 = %scan3A_8 to %scan3A_10 step %scan3A_11  : i32 {
      %mul3A_29 = arith.constant 1 : i32
      %mul3A_30 = arith.muli %scan3A_28, %mul3A_29 : i32
      %add3A = arith.constant 0 : i32
      %add3A_31 = arith.addi %add3A, %mul3A_30 : i32
      %scan3A_32 = arith.constant 0 : i32
      %scan3A_33 = arith.constant 8 : i32
      %scan3A_34 = arith.addi %scan3A_32, %scan3A_33 : i32
      %scan3A_35 = arith.constant 1 : i32
      scf.for %scan3A_37 = %scan3A_32 to %scan3A_34 step %scan3A_35  : i32 {
        %mul3A_38 = arith.constant 16 : i32
        %mul3A_39 = arith.muli %scan3A_37, %mul3A_38 : i32
        %add3A_40 = arith.constant 0 : i32
        %add3A_41 = arith.addi %add3A_40, %mul3A_39 : i32
        %swap3A = arith.index_cast %add3A_31 : i32 to index
        %swap3A_42 = arith.index_cast %add3A_41 : i32 to index
        %swap3A_43 = tpu.vector_load %arg13[%swap3A, %swap3A_42] {strides = array<i32>} : memref<80x128xf32, #tpu.memory_space<vmem>>, vector<1x16xf32>,
        %swap3A_44 = vector.shape_cast %swap3A_43 : vector<1x16xf32> to vector<16xf32>
        %swap3A_45 = vector.shape_cast %broadcast_in_dim3A_3 : vector<16xf32> to vector<1x16xf32>
        tpu.vector_store %arg13[%swap3A, %swap3A_42], %swap3A_45 {strides = array<i32>} : memref<80x128xf32, #tpu.memory_space<vmem>>, vector<1x16xf32>,
      }
      %scan3A_36 = arith.constant 8 : i32
    }
    %scan3A_12 = arith.constant 64 : i32
    %mul3A_13 = arith.constant 640 : i32
    %mul3A_14 = arith.muli %arg1, %mul3A_13 : i32
    %scan3A_15 = arith.constant 0 : i32
    %scan3A_16 = arith.constant 10 : i32
    %scan3A_17 = arith.addi %scan3A_15, %scan3A_16 : i32
    %scan3A_18 = arith.constant 1 : i32
    scf.for %scan3A_28 = %scan3A_15 to %scan3A_17 step %scan3A_18  : i32 {
      %mul3A_29 = arith.constant 64 : i32
      %mul3A_30 = arith.muli %scan3A_28, %mul3A_29 : i32
      %add3A = arith.constant 0 : i32
      %add3A_31 = arith.addi %add3A, %mul3A_30 : i32
      %add3A_32 = arith.addi %mul3A_14, %add3A_31 : i32
      "tpu.region"() ({
        %run_scoped3A = tpu.sem_alloc : memref<!tpu.dma_semaphore, #tpu.memory_space<semaphore_mem>>
        %dma_start3A = arith.constant 0 : i32
        %dma_start3A_34 = arith.constant 0 : i32
        %dma_start3A_35 = tpu.memref_slice %arg13[%dma_start3A, %dma_start3A_34] : memref<80x128xf32, #tpu.memory_space<vmem>> -> memref<64x128xf32, #tpu.memory_space<vmem>>
        %dma_start3A_36 = arith.constant 0 : i32
        %dma_start3A_37 = tpu.memref_slice %arg18[%add3A_32, %dma_start3A_36] : memref<10240x128xf32, #tpu.memory_space<vmem_shared>> -> memref<64x128xf32, #tpu.memory_space<vmem_shared>>
        %dma_start3A_38 = arith.constant 0 : i32
        %dma_start3A_39 = tpu.memref_slice %arg18[%add3A_32, %dma_start3A_38] : memref<10240x128xf32, #tpu.memory_space<vmem_shared>> -> memref<64x128xf32, #tpu.memory_space<vmem_shared>>
        %dma_start3A_40 = arith.constant 0 : i32
        %dma_start3A_41 = arith.constant 0 : i32
        %dma_start3A_42 = tpu.memref_slice %arg13[%dma_start3A_40, %dma_start3A_41] : memref<80x128xf32, #tpu.memory_space<vmem>> -> memref<64x128xf32, #tpu.memory_space<vmem>>
        tpu.enqueue_dma source(%dma_start3A_42 : memref<64x128xf32, #tpu.memory_space<vmem>>) target(%dma_start3A_39 : memref<64x128xf32, #tpu.memory_space<vmem_shared>>) target_semaphore(%run_scoped3A : memref<!tpu.dma_semaphore, #tpu.memory_space<semaphore_mem>>)
        %dma_wait3A = arith.constant 0 : i32
        %dma_wait3A_43 = arith.constant 0 : i32
        %dma_wait3A_44 = tpu.memref_slice %arg13[%dma_wait3A, %dma_wait3A_43] : memref<80x128xf32, #tpu.memory_space<vmem>> -> memref<64x128xf32, #tpu.memory_space<vmem>>
        %dma_wait3A_45 = arith.constant 0 : i32
        %dma_wait3A_46 = tpu.memref_slice %arg18[%add3A_32, %dma_wait3A_45] : memref<10240x128xf32, #tpu.memory_space<vmem_shared>> -> memref<64x128xf32, #tpu.memory_space<vmem_shared>>
        %dma_wait3A_47 = arith.constant 0 : i32
        %dma_wait3A_48 = tpu.memref_slice %arg18[%add3A_32, %dma_wait3A_47] : memref<10240x128xf32, #tpu.memory_space<vmem_shared>> -> memref<64x128xf32, #tpu.memory_space<vmem_shared>>
        %dma_wait3A_49 = arith.constant 0 : i32
        %dma_wait3A_50 = arith.constant 0 : i32
        %dma_wait3A_51 = tpu.memref_slice %arg13[%dma_wait3A_49, %dma_wait3A_50] : memref<80x128xf32, #tpu.memory_space<vmem>> -> memref<64x128xf32, #tpu.memory_space<vmem>>
        tpu.wait_dma2 semaphore(%run_scoped3A : memref<!tpu.dma_semaphore, #tpu.memory_space<semaphore_mem>>) src(%dma_wait3A_51 : memref<64x128xf32, #tpu.memory_space<vmem>>) dst(%dma_wait3A_48 : memref<64x128xf32, #tpu.memory_space<vmem_shared>>)
        tpu.yield
      }) : () -> ()
      %add3A_33 = arith.addi %mul3A_14, %add3A_31 : i32
      "tpu.region"() ({
        %run_scoped3A = tpu.sem_alloc : memref<!tpu.dma_semaphore, #tpu.memory_space<semaphore_mem>>
        %dma_start3A = arith.constant 0 : i32
        %dma_start3A_34 = tpu.memref_slice %arg17[%dma_start3A] : memref<80xf32, #tpu.memory_space<vmem>> -> memref<64xf32, #tpu.memory_space<vmem>>
        %dma_start3A_35 = tpu.memref_slice %arg19[%add3A_33] : memref<10240xf32, #tpu.memory_space<vmem_shared>> -> memref<64xf32, #tpu.memory_space<vmem_shared>>
        %dma_start3A_36 = tpu.memref_slice %arg19[%add3A_33] : memref<10240xf32, #tpu.memory_space<vmem_shared>> -> memref<64xf32, #tpu.memory_space<vmem_shared>>
        %dma_start3A_37 = arith.constant 0 : i32
        %dma_start3A_38 = tpu.memref_slice %arg17[%dma_start3A_37] : memref<80xf32, #tpu.memory_space<vmem>> -> memref<64xf32, #tpu.memory_space<vmem>>
        tpu.enqueue_dma source(%dma_start3A_38 : memref<64xf32, #tpu.memory_space<vmem>>) target(%dma_start3A_36 : memref<64xf32, #tpu.memory_space<vmem_shared>>) target_semaphore(%run_scoped3A : memref<!tpu.dma_semaphore, #tpu.memory_space<semaphore_mem>>)
        %dma_wait3A = arith.constant 0 : i32
        %dma_wait3A_39 = tpu.memref_slice %arg17[%dma_wait3A] : memref<80xf32, #tpu.memory_space<vmem>> -> memref<64xf32, #tpu.memory_space<vmem>>
        %dma_wait3A_40 = tpu.memref_slice %arg19[%add3A_33] : memref<10240xf32, #tpu.memory_space<vmem_shared>> -> memref<64xf32, #tpu.memory_space<vmem_shared>>
        %dma_wait3A_41 = tpu.memref_slice %arg19[%add3A_33] : memref<10240xf32, #tpu.memory_space<vmem_shared>> -> memref<64xf32, #tpu.memory_space<vmem_shared>>
        %dma_wait3A_42 = arith.constant 0 : i32
        %dma_wait3A_43 = tpu.memref_slice %arg17[%dma_wait3A_42] : memref<80xf32, #tpu.memory_space<vmem>> -> memref<64xf32, #tpu.memory_space<vmem>>
        tpu.wait_dma2 semaphore(%run_scoped3A : memref<!tpu.dma_semaphore, #tpu.memory_space<semaphore_mem>>) src(%dma_wait3A_43 : memref<64xf32, #tpu.memory_space<vmem>>) dst(%dma_wait3A_41 : memref<64xf32, #tpu.memory_space<vmem_shared>>)
        tpu.yield
      }) : () -> ()
    }
    %scan3A_19 = arith.constant 10 : i32
    %barrier3A = arith.constant 0 : index
    tpu.barrier barrier_id(%barrier3A)
    %eq3A = arith.constant 0 : i32
    %eq3A_20 = arith.cmpi eq, %arg0, %eq3A : i32
    %convert_element_type3A = arith.extui %eq3A_20 : i1 to i32
    %cond3A = arith.constant 0 : i32
    %cond3A_21 = arith.cmpi ne, %convert_element_type3A, %cond3A : i32
    scf.if %cond3A_21 {
      %dma_start3A = tpu.memref_slice %arg3[%mul3A_0] : memref<160000xi32, #tpu.memory_space<hbm>> -> memref<10000xi32, #tpu.memory_space<hbm>>
      %dma_start3A_28 = tpu.memref_slice %arg3[%mul3A_0] : memref<160000xi32, #tpu.memory_space<hbm>> -> memref<10000xi32, #tpu.memory_space<hbm>>
      tpu.enqueue_dma source(%dma_start3A_28 : memref<10000xi32, #tpu.memory_space<hbm>>) target(%arg9 : memref<10000xi32, #tpu.memory_space<vmem>>) target_semaphore(%arg20 : memref<!tpu.dma_semaphore, #tpu.memory_space<semaphore_mem>>)
      %dma_wait3A = tpu.memref_slice %arg3[%mul3A_0] : memref<160000xi32, #tpu.memory_space<hbm>> -> memref<10000xi32, #tpu.memory_space<hbm>>
      %dma_wait3A_29 = tpu.memref_slice %arg3[%mul3A_0] : memref<160000xi32, #tpu.memory_space<hbm>> -> memref<10000xi32, #tpu.memory_space<hbm>>
      tpu.wait_dma2 semaphore(%arg20 : memref<!tpu.dma_semaphore, #tpu.memory_space<semaphore_mem>>) src(%dma_wait3A_29 : memref<10000xi32, #tpu.memory_space<hbm>>) dst(%arg9 : memref<10000xi32, #tpu.memory_space<vmem>>)
      %add3A = arith.constant 0 : i32
      %add3A_30 = arith.addi %mul3A_0, %add3A : i32
      %dma_start3A_31 = tpu.memref_slice %arg4[%add3A_30] : memref<160000xi32, #tpu.memory_space<hbm>> -> memref<80xi32, #tpu.memory_space<hbm>>
      %dma_start3A_32 = tpu.memref_slice %arg4[%add3A_30] : memref<160000xi32, #tpu.memory_space<hbm>> -> memref<80xi32, #tpu.memory_space<hbm>>
      tpu.enqueue_dma source(%dma_start3A_32 : memref<80xi32, #tpu.memory_space<hbm>>) target(%arg10 : memref<80xi32, #tpu.memory_space<vmem>>) target_semaphore(%arg23 : memref<!tpu.dma_semaphore, #tpu.memory_space<semaphore_mem>>)
      %dma_start3A_33 = arith.constant 0 : i32
      %dma_start3A_34 = tpu.memref_slice %arg9[%dma_start3A_33] : memref<10000xi32, #tpu.memory_space<vmem>> -> memref<80xi32, #tpu.memory_space<vmem>>
      %dma_start3A_35 = arith.constant 0 : i32
      %dma_start3A_36 = arith.constant 0 : i32
      %dma_start3A_37 = tpu.memref_slice %arg2[%dma_start3A_35, %dma_start3A_36] : memref<10000x128xf32, #tpu.memory_space<hbm>> -> memref<10000x128xf32, #tpu.memory_space<hbm>>
      tpu.enqueue_indirect_dma source(%dma_start3A_37 : memref<10000x128xf32, #tpu.memory_space<hbm>>) target(%arg13 : memref<80x128xf32, #tpu.memory_space<vmem>>) offsets(%dma_start3A_34 : memref<80xi32, #tpu.memory_space<vmem>>) semaphore(%arg20 : memref<!tpu.dma_semaphore, #tpu.memory_space<semaphore_mem>>)
      %add3A_38 = arith.constant 80 : i32
      %add3A_39 = arith.addi %mul3A_0, %add3A_38 : i32
      %dma_start3A_40 = tpu.memref_slice %arg4[%add3A_39] : memref<160000xi32, #tpu.memory_space<hbm>> -> memref<80xi32, #tpu.memory_space<hbm>>
      %dma_start3A_41 = tpu.memref_slice %arg4[%add3A_39] : memref<160000xi32, #tpu.memory_space<hbm>> -> memref<80xi32, #tpu.memory_space<hbm>>
      tpu.enqueue_dma source(%dma_start3A_41 : memref<80xi32, #tpu.memory_space<hbm>>) target(%arg11 : memref<80xi32, #tpu.memory_space<vmem>>) target_semaphore(%arg24 : memref<!tpu.dma_semaphore, #tpu.memory_space<semaphore_mem>>)
      %dma_start3A_42 = arith.constant 80 : i32
      %dma_start3A_43 = tpu.memref_slice %arg9[%dma_start3A_42] : memref<10000xi32, #tpu.memory_space<vmem>> -> memref<80xi32, #tpu.memory_space<vmem>>
      %dma_start3A_44 = arith.constant 0 : i32
      %dma_start3A_45 = arith.constant 0 : i32
      %dma_start3A_46 = tpu.memref_slice %arg2[%dma_start3A_44, %dma_start3A_45] : memref<10000x128xf32, #tpu.memory_space<hbm>> -> memref<10000x128xf32, #tpu.memory_space<hbm>>
      tpu.enqueue_indirect_dma source(%dma_start3A_46 : memref<10000x128xf32, #tpu.memory_space<hbm>>) target(%arg14 : memref<80x128xf32, #tpu.memory_space<vmem>>) offsets(%dma_start3A_43 : memref<80xi32, #tpu.memory_space<vmem>>) semaphore(%arg21 : memref<!tpu.dma_semaphore, #tpu.memory_space<semaphore_mem>>)
      %scan3A_47 = arith.constant 0 : i32
      %scan3A_48 = arith.constant 41 : i32
      %scan3A_49 = arith.addi %scan3A_47, %scan3A_48 : i32
      %scan3A_50 = arith.constant 1 : i32
      scf.for %scan3A_70 = %scan3A_47 to %scan3A_49 step %scan3A_50  : i32 {
        %mul3A_71 = arith.constant 3 : i32
        %mul3A_72 = arith.muli %scan3A_70, %mul3A_71 : i32
        %add3A_73 = arith.constant 0 : i32
        %add3A_74 = arith.addi %add3A_73, %mul3A_72 : i32
        %add3A_75 = arith.constant 2 : i32
        %add3A_76 = arith.addi %add3A_74, %add3A_75 : i32
        %lt3A = arith.constant 125 : i32
        %lt3A_77 = arith.cmpi slt, %add3A_76, %lt3A : i32
        %convert_element_type3A_78 = arith.extui %lt3A_77 : i1 to i32
        %cond3A_79 = arith.constant 0 : i32
        %cond3A_80 = arith.cmpi ne, %convert_element_type3A_78, %cond3A_79 : i32
        scf.if %cond3A_80 {
          %mul3A_132 = arith.constant 80 : i32
          %mul3A_133 = arith.muli %add3A_76, %mul3A_132 : i32
          %add3A_134 = arith.addi %mul3A_0, %mul3A_133 : i32
          %dma_start3A_135 = tpu.memref_slice %arg4[%add3A_134] : memref<160000xi32, #tpu.memory_space<hbm>> -> memref<80xi32, #tpu.memory_space<hbm>>
          %dma_start3A_136 = tpu.memref_slice %arg4[%add3A_134] : memref<160000xi32, #tpu.memory_space<hbm>> -> memref<80xi32, #tpu.memory_space<hbm>>
          tpu.enqueue_dma source(%dma_start3A_136 : memref<80xi32, #tpu.memory_space<hbm>>) target(%arg12 : memref<80xi32, #tpu.memory_space<vmem>>) target_semaphore(%arg25 : memref<!tpu.dma_semaphore, #tpu.memory_space<semaphore_mem>>)
          %mul3A_137 = arith.constant 80 : i32
          %mul3A_138 = arith.muli %add3A_76, %mul3A_137 : i32
          %dma_start3A_139 = tpu.memref_slice %arg9[%mul3A_138] : memref<10000xi32, #tpu.memory_space<vmem>> -> memref<80xi32, #tpu.memory_space<vmem>>
          %dma_start3A_140 = arith.constant 0 : i32
          %dma_start3A_141 = arith.constant 0 : i32
          %dma_start3A_142 = tpu.memref_slice %arg2[%dma_start3A_140, %dma_start3A_141] : memref<10000x128xf32, #tpu.memory_space<hbm>> -> memref<10000x128xf32, #tpu.memory_space<hbm>>
          tpu.enqueue_indirect_dma source(%dma_start3A_142 : memref<10000x128xf32, #tpu.memory_space<hbm>>) target(%arg15 : memref<80x128xf32, #tpu.memory_space<vmem>>) offsets(%dma_start3A_139 : memref<80xi32, #tpu.memory_space<vmem>>) semaphore(%arg22 : memref<!tpu.dma_semaphore, #tpu.memory_space<semaphore_mem>>)
        } else {
        }
        %mul3A_81 = arith.constant 80 : i32
        %mul3A_82 = arith.muli %add3A_74, %mul3A_81 : i32
        %dma_wait3A_83 = tpu.memref_slice %arg9[%mul3A_82] : memref<10000xi32, #tpu.memory_space<vmem>> -> memref<80xi32, #tpu.memory_space<vmem>>
        %dma_wait3A_84 = arith.constant 0 : i32
        %dma_wait3A_85 = arith.constant 0 : i32
        %dma_wait3A_86 = tpu.memref_slice %arg2[%dma_wait3A_84, %dma_wait3A_85] : memref<10000x128xf32, #tpu.memory_space<hbm>> -> memref<10000x128xf32, #tpu.memory_space<hbm>>
        tpu.wait_indirect_dma semaphore(%arg20 : memref<!tpu.dma_semaphore, #tpu.memory_space<semaphore_mem>>) src(%dma_wait3A_86 : memref<10000x128xf32, #tpu.memory_space<hbm>>) dst(%arg13 : memref<80x128xf32, #tpu.memory_space<vmem>>)
        %mul3A_87 = arith.constant 80 : i32
        %mul3A_88 = arith.muli %add3A_74, %mul3A_87 : i32
        %add3A_89 = arith.addi %mul3A_0, %mul3A_88 : i32
        %dma_wait3A_90 = tpu.memref_slice %arg4[%add3A_89] : memref<160000xi32, #tpu.memory_space<hbm>> -> memref<80xi32, #tpu.memory_space<hbm>>
        %dma_wait3A_91 = tpu.memref_slice %arg4[%add3A_89] : memref<160000xi32, #tpu.memory_space<hbm>> -> memref<80xi32, #tpu.memory_space<hbm>>
        tpu.wait_dma2 semaphore(%arg23 : memref<!tpu.dma_semaphore, #tpu.memory_space<semaphore_mem>>) src(%dma_wait3A_91 : memref<80xi32, #tpu.memory_space<hbm>>) dst(%arg10 : memref<80xi32, #tpu.memory_space<vmem>>)
        "tpu.region"() ({
          %run_scoped3A = tpu.sem_alloc : memref<!tpu.dma_semaphore, #tpu.memory_space<semaphore_mem>>
          %dma_start3A_132 = arith.constant 0 : i32
          %dma_start3A_133 = arith.constant 0 : i32
          %dma_start3A_134 = tpu.memref_slice %arg18[%dma_start3A_132, %dma_start3A_133] : memref<10240x128xf32, #tpu.memory_space<vmem_shared>> -> memref<10240x128xf32, #tpu.memory_space<vmem_shared>>
          tpu.enqueue_indirect_dma source(%arg13 : memref<80x128xf32, #tpu.memory_space<vmem>>) target(%dma_start3A_134 : memref<10240x128xf32, #tpu.memory_space<vmem_shared>>) offsets(%arg10 : memref<80xi32, #tpu.memory_space<vmem>>) semaphore(%run_scoped3A : memref<!tpu.dma_semaphore, #tpu.memory_space<semaphore_mem>>) {add = true}
          %dma_wait3A_135 = arith.constant 0 : i32
          %dma_wait3A_136 = arith.constant 0 : i32
          %dma_wait3A_137 = tpu.memref_slice %arg18[%dma_wait3A_135, %dma_wait3A_136] : memref<10240x128xf32, #tpu.memory_space<vmem_shared>> -> memref<10240x128xf32, #tpu.memory_space<vmem_shared>>
          tpu.wait_indirect_dma semaphore(%run_scoped3A : memref<!tpu.dma_semaphore, #tpu.memory_space<semaphore_mem>>) src(%arg13 : memref<80x128xf32, #tpu.memory_space<vmem>>) dst(%dma_wait3A_137 : memref<10240x128xf32, #tpu.memory_space<vmem_shared>>)
          tpu.yield
        }) : () -> ()
        "tpu.region"() ({
          %run_scoped3A = tpu.sem_alloc : memref<!tpu.dma_semaphore, #tpu.memory_space<semaphore_mem>>
          %dma_start3A_132 = arith.constant 0 : i32
          %dma_start3A_133 = tpu.memref_slice %arg19[%dma_start3A_132] : memref<10240xf32, #tpu.memory_space<vmem_shared>> -> memref<10240xf32, #tpu.memory_space<vmem_shared>>
          tpu.enqueue_indirect_dma source(%arg16 : memref<80xf32, #tpu.memory_space<vmem>>) target(%dma_start3A_133 : memref<10240xf32, #tpu.memory_space<vmem_shared>>) offsets(%arg10 : memref<80xi32, #tpu.memory_space<vmem>>) semaphore(%run_scoped3A : memref<!tpu.dma_semaphore, #tpu.memory_space<semaphore_mem>>) {add = true}
          %dma_wait3A_134 = arith.constant 0 : i32
          %dma_wait3A_135 = tpu.memref_slice %arg19[%dma_wait3A_134] : memref<10240xf32, #tpu.memory_space<vmem_shared>> -> memref<10240xf32, #tpu.memory_space<vmem_shared>>
          tpu.wait_indirect_dma semaphore(%run_scoped3A : memref<!tpu.dma_semaphore, #tpu.memory_space<semaphore_mem>>) src(%arg16 : memref<80xf32, #tpu.memory_space<vmem>>) dst(%dma_wait3A_135 : memref<10240xf32, #tpu.memory_space<vmem_shared>>)
          tpu.yield
        }) : () -> ()
        %add3A_92 = arith.constant 3 : i32
        %add3A_93 = arith.addi %add3A_74, %add3A_92 : i32
        %lt3A_94 = arith.constant 125 : i32
        %lt3A_95 = arith.cmpi slt, %add3A_93, %lt3A_94 : i32
        %convert_element_type3A_96 = arith.extui %lt3A_95 : i1 to i32
        %cond3A_97 = arith.constant 0 : i32
        %cond3A_98 = arith.cmpi ne, %convert_element_type3A_96, %cond3A_97 : i32
        scf.if %cond3A_98 {
          %mul3A_132 = arith.constant 80 : i32
          %mul3A_133 = arith.muli %add3A_93, %mul3A_132 : i32
          %add3A_134 = arith.addi %mul3A_0, %mul3A_133 : i32
          %dma_start3A_135 = tpu.memref_slice %arg4[%add3A_134] : memref<160000xi32, #tpu.memory_space<hbm>> -> memref<80xi32, #tpu.memory_space<hbm>>
          %dma_start3A_136 = tpu.memref_slice %arg4[%add3A_134] : memref<160000xi32, #tpu.memory_space<hbm>> -> memref<80xi32, #tpu.memory_space<hbm>>
          tpu.enqueue_dma source(%dma_start3A_136 : memref<80xi32, #tpu.memory_space<hbm>>) target(%arg10 : memref<80xi32, #tpu.memory_space<vmem>>) target_semaphore(%arg23 : memref<!tpu.dma_semaphore, #tpu.memory_space<semaphore_mem>>)
          %mul3A_137 = arith.constant 80 : i32
          %mul3A_138 = arith.muli %add3A_93, %mul3A_137 : i32
          %dma_start3A_139 = tpu.memref_slice %arg9[%mul3A_138] : memref<10000xi32, #tpu.memory_space<vmem>> -> memref<80xi32, #tpu.memory_space<vmem>>
          %dma_start3A_140 = arith.constant 0 : i32
          %dma_start3A_141 = arith.constant 0 : i32
          %dma_start3A_142 = tpu.memref_slice %arg2[%dma_start3A_140, %dma_start3A_141] : memref<10000x128xf32, #tpu.memory_space<hbm>> -> memref<10000x128xf32, #tpu.memory_space<hbm>>
          tpu.enqueue_indirect_dma source(%dma_start3A_142 : memref<10000x128xf32, #tpu.memory_space<hbm>>) target(%arg13 : memref<80x128xf32, #tpu.memory_space<vmem>>) offsets(%dma_start3A_139 : memref<80xi32, #tpu.memory_space<vmem>>) semaphore(%arg20 : memref<!tpu.dma_semaphore, #tpu.memory_space<semaphore_mem>>)
        } else {
        }
        %add3A_99 = arith.constant 1 : i32
        %add3A_100 = arith.addi %add3A_74, %add3A_99 : i32
        %mul3A_101 = arith.constant 80 : i32
        %mul3A_102 = arith.muli %add3A_100, %mul3A_101 : i32
        %dma_wait3A_103 = tpu.memref_slice %arg9[%mul3A_102] : memref<10000xi32, #tpu.memory_space<vmem>> -> memref<80xi32, #tpu.memory_space<vmem>>
        %dma_wait3A_104 = arith.constant 0 : i32
        %dma_wait3A_105 = arith.constant 0 : i32
        %dma_wait3A_106 = tpu.memref_slice %arg2[%dma_wait3A_104, %dma_wait3A_105] : memref<10000x128xf32, #tpu.memory_space<hbm>> -> memref<10000x128xf32, #tpu.memory_space<hbm>>
        tpu.wait_indirect_dma semaphore(%arg21 : memref<!tpu.dma_semaphore, #tpu.memory_space<semaphore_mem>>) src(%dma_wait3A_106 : memref<10000x128xf32, #tpu.memory_space<hbm>>) dst(%arg14 : memref<80x128xf32, #tpu.memory_space<vmem>>)
        %mul3A_107 = arith.constant 80 : i32
        %mul3A_108 = arith.muli %add3A_100, %mul3A_107 : i32
        %add3A_109 = arith.addi %mul3A_0, %mul3A_108 : i32
        %dma_wait3A_110 = tpu.memref_slice %arg4[%add3A_109] : memref<160000xi32, #tpu.memory_space<hbm>> -> memref<80xi32, #tpu.memory_space<hbm>>
        %dma_wait3A_111 = tpu.memref_slice %arg4[%add3A_109] : memref<160000xi32, #tpu.memory_space<hbm>> -> memref<80xi32, #tpu.memory_space<hbm>>
        tpu.wait_dma2 semaphore(%arg24 : memref<!tpu.dma_semaphore, #tpu.memory_space<semaphore_mem>>) src(%dma_wait3A_111 : memref<80xi32, #tpu.memory_space<hbm>>) dst(%arg11 : memref<80xi32, #tpu.memory_space<vmem>>)
        "tpu.region"() ({
          %run_scoped3A = tpu.sem_alloc : memref<!tpu.dma_semaphore, #tpu.memory_space<semaphore_mem>>
          %dma_start3A_132 = arith.constant 0 : i32
          %dma_start3A_133 = arith.constant 0 : i32
          %dma_start3A_134 = tpu.memref_slice %arg18[%dma_start3A_132, %dma_start3A_133] : memref<10240x128xf32, #tpu.memory_space<vmem_shared>> -> memref<10240x128xf32, #tpu.memory_space<vmem_shared>>
          tpu.enqueue_indirect_dma source(%arg14 : memref<80x128xf32, #tpu.memory_space<vmem>>) target(%dma_start3A_134 : memref<10240x128xf32, #tpu.memory_space<vmem_shared>>) offsets(%arg11 : memref<80xi32, #tpu.memory_space<vmem>>) semaphore(%run_scoped3A : memref<!tpu.dma_semaphore, #tpu.memory_space<semaphore_mem>>) {add = true}
          %dma_wait3A_135 = arith.constant 0 : i32
          %dma_wait3A_136 = arith.constant 0 : i32
          %dma_wait3A_137 = tpu.memref_slice %arg18[%dma_wait3A_135, %dma_wait3A_136] : memref<10240x128xf32, #tpu.memory_space<vmem_shared>> -> memref<10240x128xf32, #tpu.memory_space<vmem_shared>>
          tpu.wait_indirect_dma semaphore(%run_scoped3A : memref<!tpu.dma_semaphore, #tpu.memory_space<semaphore_mem>>) src(%arg14 : memref<80x128xf32, #tpu.memory_space<vmem>>) dst(%dma_wait3A_137 : memref<10240x128xf32, #tpu.memory_space<vmem_shared>>)
          tpu.yield
        }) : () -> ()
        "tpu.region"() ({
          %run_scoped3A = tpu.sem_alloc : memref<!tpu.dma_semaphore, #tpu.memory_space<semaphore_mem>>
          %dma_start3A_132 = arith.constant 0 : i32
          %dma_start3A_133 = tpu.memref_slice %arg19[%dma_start3A_132] : memref<10240xf32, #tpu.memory_space<vmem_shared>> -> memref<10240xf32, #tpu.memory_space<vmem_shared>>
          tpu.enqueue_indirect_dma source(%arg16 : memref<80xf32, #tpu.memory_space<vmem>>) target(%dma_start3A_133 : memref<10240xf32, #tpu.memory_space<vmem_shared>>) offsets(%arg11 : memref<80xi32, #tpu.memory_space<vmem>>) semaphore(%run_scoped3A : memref<!tpu.dma_semaphore, #tpu.memory_space<semaphore_mem>>) {add = true}
          %dma_wait3A_134 = arith.constant 0 : i32
          %dma_wait3A_135 = tpu.memref_slice %arg19[%dma_wait3A_134] : memref<10240xf32, #tpu.memory_space<vmem_shared>> -> memref<10240xf32, #tpu.memory_space<vmem_shared>>
          tpu.wait_indirect_dma semaphore(%run_scoped3A : memref<!tpu.dma_semaphore, #tpu.memory_space<semaphore_mem>>) src(%arg16 : memref<80xf32, #tpu.memory_space<vmem>>) dst(%dma_wait3A_135 : memref<10240xf32, #tpu.memory_space<vmem_shared>>)
          tpu.yield
        }) : () -> ()
        %add3A_112 = arith.constant 4 : i32
        %add3A_113 = arith.addi %add3A_74, %add3A_112 : i32
        %lt3A_114 = arith.constant 125 : i32
        %lt3A_115 = arith.cmpi slt, %add3A_113, %lt3A_114 : i32
        %convert_element_type3A_116 = arith.extui %lt3A_115 : i1 to i32
        %cond3A_117 = arith.constant 0 : i32
        %cond3A_118 = arith.cmpi ne, %convert_element_type3A_116, %cond3A_117 : i32
        scf.if %cond3A_118 {
          %mul3A_132 = arith.constant 80 : i32
          %mul3A_133 = arith.muli %add3A_113, %mul3A_132 : i32
          %add3A_134 = arith.addi %mul3A_0, %mul3A_133 : i32
          %dma_start3A_135 = tpu.memref_slice %arg4[%add3A_134] : memref<160000xi32, #tpu.memory_space<hbm>> -> memref<80xi32, #tpu.memory_space<hbm>>
          %dma_start3A_136 = tpu.memref_slice %arg4[%add3A_134] : memref<160000xi32, #tpu.memory_space<hbm>> -> memref<80xi32, #tpu.memory_space<hbm>>
          tpu.enqueue_dma source(%dma_start3A_136 : memref<80xi32, #tpu.memory_space<hbm>>) target(%arg11 : memref<80xi32, #tpu.memory_space<vmem>>) target_semaphore(%arg24 : memref<!tpu.dma_semaphore, #tpu.memory_space<semaphore_mem>>)
          %mul3A_137 = arith.constant 80 : i32
          %mul3A_138 = arith.muli %add3A_113, %mul3A_137 : i32
          %dma_start3A_139 = tpu.memref_slice %arg9[%mul3A_138] : memref<10000xi32, #tpu.memory_space<vmem>> -> memref<80xi32, #tpu.memory_space<vmem>>
          %dma_start3A_140 = arith.constant 0 : i32
          %dma_start3A_141 = arith.constant 0 : i32
          %dma_start3A_142 = tpu.memref_slice %arg2[%dma_start3A_140, %dma_start3A_141] : memref<10000x128xf32, #tpu.memory_space<hbm>> -> memref<10000x128xf32, #tpu.memory_space<hbm>>
          tpu.enqueue_indirect_dma source(%dma_start3A_142 : memref<10000x128xf32, #tpu.memory_space<hbm>>) target(%arg14 : memref<80x128xf32, #tpu.memory_space<vmem>>) offsets(%dma_start3A_139 : memref<80xi32, #tpu.memory_space<vmem>>) semaphore(%arg21 : memref<!tpu.dma_semaphore, #tpu.memory_space<semaphore_mem>>)
        } else {
        }
        %add3A_119 = arith.constant 2 : i32
        %add3A_120 = arith.addi %add3A_74, %add3A_119 : i32
        %mul3A_121 = arith.constant 80 : i32
        %mul3A_122 = arith.muli %add3A_120, %mul3A_121 : i32
        %dma_wait3A_123 = tpu.memref_slice %arg9[%mul3A_122] : memref<10000xi32, #tpu.memory_space<vmem>> -> memref<80xi32, #tpu.memory_space<vmem>>
        %dma_wait3A_124 = arith.constant 0 : i32
        %dma_wait3A_125 = arith.constant 0 : i32
        %dma_wait3A_126 = tpu.memref_slice %arg2[%dma_wait3A_124, %dma_wait3A_125] : memref<10000x128xf32, #tpu.memory_space<hbm>> -> memref<10000x128xf32, #tpu.memory_space<hbm>>
        tpu.wait_indirect_dma semaphore(%arg22 : memref<!tpu.dma_semaphore, #tpu.memory_space<semaphore_mem>>) src(%dma_wait3A_126 : memref<10000x128xf32, #tpu.memory_space<hbm>>) dst(%arg15 : memref<80x128xf32, #tpu.memory_space<vmem>>)
        %mul3A_127 = arith.constant 80 : i32
        %mul3A_128 = arith.muli %add3A_120, %mul3A_127 : i32
        %add3A_129 = arith.addi %mul3A_0, %mul3A_128 : i32
        %dma_wait3A_130 = tpu.memref_slice %arg4[%add3A_129] : memref<160000xi32, #tpu.memory_space<hbm>> -> memref<80xi32, #tpu.memory_space<hbm>>
        %dma_wait3A_131 = tpu.memref_slice %arg4[%add3A_129] : memref<160000xi32, #tpu.memory_space<hbm>> -> memref<80xi32, #tpu.memory_space<hbm>>
        tpu.wait_dma2 semaphore(%arg25 : memref<!tpu.dma_semaphore, #tpu.memory_space<semaphore_mem>>) src(%dma_wait3A_131 : memref<80xi32, #tpu.memory_space<hbm>>) dst(%arg12 : memref<80xi32, #tpu.memory_space<vmem>>)
        "tpu.region"() ({
          %run_scoped3A = tpu.sem_alloc : memref<!tpu.dma_semaphore, #tpu.memory_space<semaphore_mem>>
          %dma_start3A_132 = arith.constant 0 : i32
          %dma_start3A_133 = arith.constant 0 : i32
          %dma_start3A_134 = tpu.memref_slice %arg18[%dma_start3A_132, %dma_start3A_133] : memref<10240x128xf32, #tpu.memory_space<vmem_shared>> -> memref<10240x128xf32, #tpu.memory_space<vmem_shared>>
          tpu.enqueue_indirect_dma source(%arg15 : memref<80x128xf32, #tpu.memory_space<vmem>>) target(%dma_start3A_134 : memref<10240x128xf32, #tpu.memory_space<vmem_shared>>) offsets(%arg12 : memref<80xi32, #tpu.memory_space<vmem>>) semaphore(%run_scoped3A : memref<!tpu.dma_semaphore, #tpu.memory_space<semaphore_mem>>) {add = true}
          %dma_wait3A_135 = arith.constant 0 : i32
          %dma_wait3A_136 = arith.constant 0 : i32
          %dma_wait3A_137 = tpu.memref_slice %arg18[%dma_wait3A_135, %dma_wait3A_136] : memref<10240x128xf32, #tpu.memory_space<vmem_shared>> -> memref<10240x128xf32, #tpu.memory_space<vmem_shared>>
          tpu.wait_indirect_dma semaphore(%run_scoped3A : memref<!tpu.dma_semaphore, #tpu.memory_space<semaphore_mem>>) src(%arg15 : memref<80x128xf32, #tpu.memory_space<vmem>>) dst(%dma_wait3A_137 : memref<10240x128xf32, #tpu.memory_space<vmem_shared>>)
          tpu.yield
        }) : () -> ()
        "tpu.region"() ({
          %run_scoped3A = tpu.sem_alloc : memref<!tpu.dma_semaphore, #tpu.memory_space<semaphore_mem>>
          %dma_start3A_132 = arith.constant 0 : i32
          %dma_start3A_133 = tpu.memref_slice %arg19[%dma_start3A_132] : memref<10240xf32, #tpu.memory_space<vmem_shared>> -> memref<10240xf32, #tpu.memory_space<vmem_shared>>
          tpu.enqueue_indirect_dma source(%arg16 : memref<80xf32, #tpu.memory_space<vmem>>) target(%dma_start3A_133 : memref<10240xf32, #tpu.memory_space<vmem_shared>>) offsets(%arg12 : memref<80xi32, #tpu.memory_space<vmem>>) semaphore(%run_scoped3A : memref<!tpu.dma_semaphore, #tpu.memory_space<semaphore_mem>>) {add = true}
          %dma_wait3A_134 = arith.constant 0 : i32
          %dma_wait3A_135 = tpu.memref_slice %arg19[%dma_wait3A_134] : memref<10240xf32, #tpu.memory_space<vmem_shared>> -> memref<10240xf32, #tpu.memory_space<vmem_shared>>
          tpu.wait_indirect_dma semaphore(%run_scoped3A : memref<!tpu.dma_semaphore, #tpu.memory_space<semaphore_mem>>) src(%arg16 : memref<80xf32, #tpu.memory_space<vmem>>) dst(%dma_wait3A_135 : memref<10240xf32, #tpu.memory_space<vmem_shared>>)
          tpu.yield
        }) : () -> ()
      }
      %scan3A_51 = arith.constant 41 : i32
      %dma_wait3A_52 = arith.constant 9840 : i32
      %dma_wait3A_53 = tpu.memref_slice %arg9[%dma_wait3A_52] : memref<10000xi32, #tpu.memory_space<vmem>> -> memref<80xi32, #tpu.memory_space<vmem>>
      %dma_wait3A_54 = arith.constant 0 : i32
      %dma_wait3A_55 = arith.constant 0 : i32
      %dma_wait3A_56 = tpu.memref_slice %arg2[%dma_wait3A_54, %dma_wait3A_55] : memref<10000x128xf32, #tpu.memory_space<hbm>> -> memref<10000x128xf32, #tpu.memory_space<hbm>>
      tpu.wait_indirect_dma semaphore(%arg20 : memref<!tpu.dma_semaphore, #tpu.memory_space<semaphore_mem>>) src(%dma_wait3A_56 : memref<10000x128xf32, #tpu.memory_space<hbm>>) dst(%arg13 : memref<80x128xf32, #tpu.memory_space<vmem>>)
      %add3A_57 = arith.constant 9840 : i32
      %add3A_58 = arith.addi %mul3A_0, %add3A_57 : i32
      %dma_wait3A_59 = tpu.memref_slice %arg4[%add3A_58] : memref<160000xi32, #tpu.memory_space<hbm>> -> memref<80xi32, #tpu.memory_space<hbm>>
      %dma_wait3A_60 = tpu.memref_slice %arg4[%add3A_58] : memref<160000xi32, #tpu.memory_space<hbm>> -> memref<80xi32, #tpu.memory_space<hbm>>
      tpu.wait_dma2 semaphore(%arg23 : memref<!tpu.dma_semaphore, #tpu.memory_space<semaphore_mem>>) src(%dma_wait3A_60 : memref<80xi32, #tpu.memory_space<hbm>>) dst(%arg10 : memref<80xi32, #tpu.memory_space<vmem>>)
      "tpu.region"() ({
        %run_scoped3A = tpu.sem_alloc : memref<!tpu.dma_semaphore, #tpu.memory_space<semaphore_mem>>
        %dma_start3A_70 = arith.constant 0 : i32
        %dma_start3A_71 = arith.constant 0 : i32
        %dma_start3A_72 = tpu.memref_slice %arg18[%dma_start3A_70, %dma_start3A_71] : memref<10240x128xf32, #tpu.memory_space<vmem_shared>> -> memref<10240x128xf32, #tpu.memory_space<vmem_shared>>
        tpu.enqueue_indirect_dma source(%arg13 : memref<80x128xf32, #tpu.memory_space<vmem>>) target(%dma_start3A_72 : memref<10240x128xf32, #tpu.memory_space<vmem_shared>>) offsets(%arg10 : memref<80xi32, #tpu.memory_space<vmem>>) semaphore(%run_scoped3A : memref<!tpu.dma_semaphore, #tpu.memory_space<semaphore_mem>>) {add = true}
        %dma_wait3A_73 = arith.constant 0 : i32
        %dma_wait3A_74 = arith.constant 0 : i32
        %dma_wait3A_75 = tpu.memref_slice %arg18[%dma_wait3A_73, %dma_wait3A_74] : memref<10240x128xf32, #tpu.memory_space<vmem_shared>> -> memref<10240x128xf32, #tpu.memory_space<vmem_shared>>
        tpu.wait_indirect_dma semaphore(%run_scoped3A : memref<!tpu.dma_semaphore, #tpu.memory_space<semaphore_mem>>) src(%arg13 : memref<80x128xf32, #tpu.memory_space<vmem>>) dst(%dma_wait3A_75 : memref<10240x128xf32, #tpu.memory_space<vmem_shared>>)
        tpu.yield
      }) : () -> ()
      "tpu.region"() ({
        %run_scoped3A = tpu.sem_alloc : memref<!tpu.dma_semaphore, #tpu.memory_space<semaphore_mem>>
        %dma_start3A_70 = arith.constant 0 : i32
        %dma_start3A_71 = tpu.memref_slice %arg19[%dma_start3A_70] : memref<10240xf32, #tpu.memory_space<vmem_shared>> -> memref<10240xf32, #tpu.memory_space<vmem_shared>>
        tpu.enqueue_indirect_dma source(%arg16 : memref<80xf32, #tpu.memory_space<vmem>>) target(%dma_start3A_71 : memref<10240xf32, #tpu.memory_space<vmem_shared>>) offsets(%arg10 : memref<80xi32, #tpu.memory_space<vmem>>) semaphore(%run_scoped3A : memref<!tpu.dma_semaphore, #tpu.memory_space<semaphore_mem>>) {add = true}
        %dma_wait3A_72 = arith.constant 0 : i32
        %dma_wait3A_73 = tpu.memref_slice %arg19[%dma_wait3A_72] : memref<10240xf32, #tpu.memory_space<vmem_shared>> -> memref<10240xf32, #tpu.memory_space<vmem_shared>>
        tpu.wait_indirect_dma semaphore(%run_scoped3A : memref<!tpu.dma_semaphore, #tpu.memory_space<semaphore_mem>>) src(%arg16 : memref<80xf32, #tpu.memory_space<vmem>>) dst(%dma_wait3A_73 : memref<10240xf32, #tpu.memory_space<vmem_shared>>)
        tpu.yield
      }) : () -> ()
      %dma_wait3A_61 = arith.constant 9920 : i32
      %dma_wait3A_62 = tpu.memref_slice %arg9[%dma_wait3A_61] : memref<10000xi32, #tpu.memory_space<vmem>> -> memref<80xi32, #tpu.memory_space<vmem>>
      %dma_wait3A_63 = arith.constant 0 : i32
      %dma_wait3A_64 = arith.constant 0 : i32
      %dma_wait3A_65 = tpu.memref_slice %arg2[%dma_wait3A_63, %dma_wait3A_64] : memref<10000x128xf32, #tpu.memory_space<hbm>> -> memref<10000x128xf32, #tpu.memory_space<hbm>>
      tpu.wait_indirect_dma semaphore(%arg21 : memref<!tpu.dma_semaphore, #tpu.memory_space<semaphore_mem>>) src(%dma_wait3A_65 : memref<10000x128xf32, #tpu.memory_space<hbm>>) dst(%arg14 : memref<80x128xf32, #tpu.memory_space<vmem>>)
      %add3A_66 = arith.constant 9920 : i32
      %add3A_67 = arith.addi %mul3A_0, %add3A_66 : i32
      %dma_wait3A_68 = tpu.memref_slice %arg4[%add3A_67] : memref<160000xi32, #tpu.memory_space<hbm>> -> memref<80xi32, #tpu.memory_space<hbm>>
      %dma_wait3A_69 = tpu.memref_slice %arg4[%add3A_67] : memref<160000xi32, #tpu.memory_space<hbm>> -> memref<80xi32, #tpu.memory_space<hbm>>
      tpu.wait_dma2 semaphore(%arg24 : memref<!tpu.dma_semaphore, #tpu.memory_space<semaphore_mem>>) src(%dma_wait3A_69 : memref<80xi32, #tpu.memory_space<hbm>>) dst(%arg11 : memref<80xi32, #tpu.memory_space<vmem>>)
      "tpu.region"() ({
        %run_scoped3A = tpu.sem_alloc : memref<!tpu.dma_semaphore, #tpu.memory_space<semaphore_mem>>
        %dma_start3A_70 = arith.constant 0 : i32
        %dma_start3A_71 = arith.constant 0 : i32
        %dma_start3A_72 = tpu.memref_slice %arg18[%dma_start3A_70, %dma_start3A_71] : memref<10240x128xf32, #tpu.memory_space<vmem_shared>> -> memref<10240x128xf32, #tpu.memory_space<vmem_shared>>
        tpu.enqueue_indirect_dma source(%arg14 : memref<80x128xf32, #tpu.memory_space<vmem>>) target(%dma_start3A_72 : memref<10240x128xf32, #tpu.memory_space<vmem_shared>>) offsets(%arg11 : memref<80xi32, #tpu.memory_space<vmem>>) semaphore(%run_scoped3A : memref<!tpu.dma_semaphore, #tpu.memory_space<semaphore_mem>>) {add = true}
        %dma_wait3A_73 = arith.constant 0 : i32
        %dma_wait3A_74 = arith.constant 0 : i32
        %dma_wait3A_75 = tpu.memref_slice %arg18[%dma_wait3A_73, %dma_wait3A_74] : memref<10240x128xf32, #tpu.memory_space<vmem_shared>> -> memref<10240x128xf32, #tpu.memory_space<vmem_shared>>
        tpu.wait_indirect_dma semaphore(%run_scoped3A : memref<!tpu.dma_semaphore, #tpu.memory_space<semaphore_mem>>) src(%arg14 : memref<80x128xf32, #tpu.memory_space<vmem>>) dst(%dma_wait3A_75 : memref<10240x128xf32, #tpu.memory_space<vmem_shared>>)
        tpu.yield
      }) : () -> ()
      "tpu.region"() ({
        %run_scoped3A = tpu.sem_alloc : memref<!tpu.dma_semaphore, #tpu.memory_space<semaphore_mem>>
        %dma_start3A_70 = arith.constant 0 : i32
        %dma_start3A_71 = tpu.memref_slice %arg19[%dma_start3A_70] : memref<10240xf32, #tpu.memory_space<vmem_shared>> -> memref<10240xf32, #tpu.memory_space<vmem_shared>>
        tpu.enqueue_indirect_dma source(%arg16 : memref<80xf32, #tpu.memory_space<vmem>>) target(%dma_start3A_71 : memref<10240xf32, #tpu.memory_space<vmem_shared>>) offsets(%arg11 : memref<80xi32, #tpu.memory_space<vmem>>) semaphore(%run_scoped3A : memref<!tpu.dma_semaphore, #tpu.memory_space<semaphore_mem>>) {add = true}
        %dma_wait3A_72 = arith.constant 0 : i32
        %dma_wait3A_73 = tpu.memref_slice %arg19[%dma_wait3A_72] : memref<10240xf32, #tpu.memory_space<vmem_shared>> -> memref<10240xf32, #tpu.memory_space<vmem_shared>>
        tpu.wait_indirect_dma semaphore(%run_scoped3A : memref<!tpu.dma_semaphore, #tpu.memory_space<semaphore_mem>>) src(%arg16 : memref<80xf32, #tpu.memory_space<vmem>>) dst(%dma_wait3A_73 : memref<10240xf32, #tpu.memory_space<vmem_shared>>)
        tpu.yield
      }) : () -> ()
    } else {
    }
    %eq3A_22 = arith.constant 1 : i32
    %eq3A_23 = arith.cmpi eq, %arg0, %eq3A_22 : i32
    %convert_element_type3A_24 = arith.extui %eq3A_23 : i1 to i32
    %cond3A_25 = arith.constant 0 : i32
    %cond3A_26 = arith.cmpi ne, %convert_element_type3A_24, %cond3A_25 : i32
    scf.if %cond3A_26 {
      %dma_start3A = tpu.memref_slice %arg5[%mul3A_0] : memref<160000xi32, #tpu.memory_space<hbm>> -> memref<10000xi32, #tpu.memory_space<hbm>>
      %dma_start3A_28 = tpu.memref_slice %arg5[%mul3A_0] : memref<160000xi32, #tpu.memory_space<hbm>> -> memref<10000xi32, #tpu.memory_space<hbm>>
      tpu.enqueue_dma source(%dma_start3A_28 : memref<10000xi32, #tpu.memory_space<hbm>>) target(%arg9 : memref<10000xi32, #tpu.memory_space<vmem>>) target_semaphore(%arg20 : memref<!tpu.dma_semaphore, #tpu.memory_space<semaphore_mem>>)
      %dma_wait3A = tpu.memref_slice %arg5[%mul3A_0] : memref<160000xi32, #tpu.memory_space<hbm>> -> memref<10000xi32, #tpu.memory_space<hbm>>
      %dma_wait3A_29 = tpu.memref_slice %arg5[%mul3A_0] : memref<160000xi32, #tpu.memory_space<hbm>> -> memref<10000xi32, #tpu.memory_space<hbm>>
      tpu.wait_dma2 semaphore(%arg20 : memref<!tpu.dma_semaphore, #tpu.memory_space<semaphore_mem>>) src(%dma_wait3A_29 : memref<10000xi32, #tpu.memory_space<hbm>>) dst(%arg9 : memref<10000xi32, #tpu.memory_space<vmem>>)
      %add3A = arith.constant 0 : i32
      %add3A_30 = arith.addi %mul3A_0, %add3A : i32
      %dma_start3A_31 = tpu.memref_slice %arg6[%add3A_30] : memref<160000xi32, #tpu.memory_space<hbm>> -> memref<80xi32, #tpu.memory_space<hbm>>
      %dma_start3A_32 = tpu.memref_slice %arg6[%add3A_30] : memref<160000xi32, #tpu.memory_space<hbm>> -> memref<80xi32, #tpu.memory_space<hbm>>
      tpu.enqueue_dma source(%dma_start3A_32 : memref<80xi32, #tpu.memory_space<hbm>>) target(%arg10 : memref<80xi32, #tpu.memory_space<vmem>>) target_semaphore(%arg23 : memref<!tpu.dma_semaphore, #tpu.memory_space<semaphore_mem>>)
      %dma_start3A_33 = arith.constant 0 : i32
      %dma_start3A_34 = tpu.memref_slice %arg9[%dma_start3A_33] : memref<10000xi32, #tpu.memory_space<vmem>> -> memref<80xi32, #tpu.memory_space<vmem>>
      %dma_start3A_35 = arith.constant 0 : i32
      %dma_start3A_36 = arith.constant 0 : i32
      %dma_start3A_37 = tpu.memref_slice %arg2[%dma_start3A_35, %dma_start3A_36] : memref<10000x128xf32, #tpu.memory_space<hbm>> -> memref<10000x128xf32, #tpu.memory_space<hbm>>
      tpu.enqueue_indirect_dma source(%dma_start3A_37 : memref<10000x128xf32, #tpu.memory_space<hbm>>) target(%arg13 : memref<80x128xf32, #tpu.memory_space<vmem>>) offsets(%dma_start3A_34 : memref<80xi32, #tpu.memory_space<vmem>>) semaphore(%arg20 : memref<!tpu.dma_semaphore, #tpu.memory_space<semaphore_mem>>)
      %add3A_38 = arith.constant 80 : i32
      %add3A_39 = arith.addi %mul3A_0, %add3A_38 : i32
      %dma_start3A_40 = tpu.memref_slice %arg6[%add3A_39] : memref<160000xi32, #tpu.memory_space<hbm>> -> memref<80xi32, #tpu.memory_space<hbm>>
      %dma_start3A_41 = tpu.memref_slice %arg6[%add3A_39] : memref<160000xi32, #tpu.memory_space<hbm>> -> memref<80xi32, #tpu.memory_space<hbm>>
      tpu.enqueue_dma source(%dma_start3A_41 : memref<80xi32, #tpu.memory_space<hbm>>) target(%arg11 : memref<80xi32, #tpu.memory_space<vmem>>) target_semaphore(%arg24 : memref<!tpu.dma_semaphore, #tpu.memory_space<semaphore_mem>>)
      %dma_start3A_42 = arith.constant 80 : i32
      %dma_start3A_43 = tpu.memref_slice %arg9[%dma_start3A_42] : memref<10000xi32, #tpu.memory_space<vmem>> -> memref<80xi32, #tpu.memory_space<vmem>>
      %dma_start3A_44 = arith.constant 0 : i32
      %dma_start3A_45 = arith.constant 0 : i32
      %dma_start3A_46 = tpu.memref_slice %arg2[%dma_start3A_44, %dma_start3A_45] : memref<10000x128xf32, #tpu.memory_space<hbm>> -> memref<10000x128xf32, #tpu.memory_space<hbm>>
      tpu.enqueue_indirect_dma source(%dma_start3A_46 : memref<10000x128xf32, #tpu.memory_space<hbm>>) target(%arg14 : memref<80x128xf32, #tpu.memory_space<vmem>>) offsets(%dma_start3A_43 : memref<80xi32, #tpu.memory_space<vmem>>) semaphore(%arg21 : memref<!tpu.dma_semaphore, #tpu.memory_space<semaphore_mem>>)
      %scan3A_47 = arith.constant 0 : i32
      %scan3A_48 = arith.constant 41 : i32
      %scan3A_49 = arith.addi %scan3A_47, %scan3A_48 : i32
      %scan3A_50 = arith.constant 1 : i32
      scf.for %scan3A_70 = %scan3A_47 to %scan3A_49 step %scan3A_50  : i32 {
        %mul3A_71 = arith.constant 3 : i32
        %mul3A_72 = arith.muli %scan3A_70, %mul3A_71 : i32
        %add3A_73 = arith.constant 0 : i32
        %add3A_74 = arith.addi %add3A_73, %mul3A_72 : i32
        %add3A_75 = arith.constant 2 : i32
        %add3A_76 = arith.addi %add3A_74, %add3A_75 : i32
        %lt3A = arith.constant 125 : i32
        %lt3A_77 = arith.cmpi slt, %add3A_76, %lt3A : i32
        %convert_element_type3A_78 = arith.extui %lt3A_77 : i1 to i32
        %cond3A_79 = arith.constant 0 : i32
        %cond3A_80 = arith.cmpi ne, %convert_element_type3A_78, %cond3A_79 : i32
        scf.if %cond3A_80 {
          %mul3A_132 = arith.constant 80 : i32
          %mul3A_133 = arith.muli %add3A_76, %mul3A_132 : i32
          %add3A_134 = arith.addi %mul3A_0, %mul3A_133 : i32
          %dma_start3A_135 = tpu.memref_slice %arg6[%add3A_134] : memref<160000xi32, #tpu.memory_space<hbm>> -> memref<80xi32, #tpu.memory_space<hbm>>
          %dma_start3A_136 = tpu.memref_slice %arg6[%add3A_134] : memref<160000xi32, #tpu.memory_space<hbm>> -> memref<80xi32, #tpu.memory_space<hbm>>
          tpu.enqueue_dma source(%dma_start3A_136 : memref<80xi32, #tpu.memory_space<hbm>>) target(%arg12 : memref<80xi32, #tpu.memory_space<vmem>>) target_semaphore(%arg25 : memref<!tpu.dma_semaphore, #tpu.memory_space<semaphore_mem>>)
          %mul3A_137 = arith.constant 80 : i32
          %mul3A_138 = arith.muli %add3A_76, %mul3A_137 : i32
          %dma_start3A_139 = tpu.memref_slice %arg9[%mul3A_138] : memref<10000xi32, #tpu.memory_space<vmem>> -> memref<80xi32, #tpu.memory_space<vmem>>
          %dma_start3A_140 = arith.constant 0 : i32
          %dma_start3A_141 = arith.constant 0 : i32
          %dma_start3A_142 = tpu.memref_slice %arg2[%dma_start3A_140, %dma_start3A_141] : memref<10000x128xf32, #tpu.memory_space<hbm>> -> memref<10000x128xf32, #tpu.memory_space<hbm>>
          tpu.enqueue_indirect_dma source(%dma_start3A_142 : memref<10000x128xf32, #tpu.memory_space<hbm>>) target(%arg15 : memref<80x128xf32, #tpu.memory_space<vmem>>) offsets(%dma_start3A_139 : memref<80xi32, #tpu.memory_space<vmem>>) semaphore(%arg22 : memref<!tpu.dma_semaphore, #tpu.memory_space<semaphore_mem>>)
        } else {
        }
        %mul3A_81 = arith.constant 80 : i32
        %mul3A_82 = arith.muli %add3A_74, %mul3A_81 : i32
        %dma_wait3A_83 = tpu.memref_slice %arg9[%mul3A_82] : memref<10000xi32, #tpu.memory_space<vmem>> -> memref<80xi32, #tpu.memory_space<vmem>>
        %dma_wait3A_84 = arith.constant 0 : i32
        %dma_wait3A_85 = arith.constant 0 : i32
        %dma_wait3A_86 = tpu.memref_slice %arg2[%dma_wait3A_84, %dma_wait3A_85] : memref<10000x128xf32, #tpu.memory_space<hbm>> -> memref<10000x128xf32, #tpu.memory_space<hbm>>
        tpu.wait_indirect_dma semaphore(%arg20 : memref<!tpu.dma_semaphore, #tpu.memory_space<semaphore_mem>>) src(%dma_wait3A_86 : memref<10000x128xf32, #tpu.memory_space<hbm>>) dst(%arg13 : memref<80x128xf32, #tpu.memory_space<vmem>>)
        %mul3A_87 = arith.constant 80 : i32
        %mul3A_88 = arith.muli %add3A_74, %mul3A_87 : i32
        %add3A_89 = arith.addi %mul3A_0, %mul3A_88 : i32
        %dma_wait3A_90 = tpu.memref_slice %arg6[%add3A_89] : memref<160000xi32, #tpu.memory_space<hbm>> -> memref<80xi32, #tpu.memory_space<hbm>>
        %dma_wait3A_91 = tpu.memref_slice %arg6[%add3A_89] : memref<160000xi32, #tpu.memory_space<hbm>> -> memref<80xi32, #tpu.memory_space<hbm>>
        tpu.wait_dma2 semaphore(%arg23 : memref<!tpu.dma_semaphore, #tpu.memory_space<semaphore_mem>>) src(%dma_wait3A_91 : memref<80xi32, #tpu.memory_space<hbm>>) dst(%arg10 : memref<80xi32, #tpu.memory_space<vmem>>)
        "tpu.region"() ({
          %run_scoped3A = tpu.sem_alloc : memref<!tpu.dma_semaphore, #tpu.memory_space<semaphore_mem>>
          %dma_start3A_132 = arith.constant 0 : i32
          %dma_start3A_133 = arith.constant 0 : i32
          %dma_start3A_134 = tpu.memref_slice %arg18[%dma_start3A_132, %dma_start3A_133] : memref<10240x128xf32, #tpu.memory_space<vmem_shared>> -> memref<10240x128xf32, #tpu.memory_space<vmem_shared>>
          tpu.enqueue_indirect_dma source(%arg13 : memref<80x128xf32, #tpu.memory_space<vmem>>) target(%dma_start3A_134 : memref<10240x128xf32, #tpu.memory_space<vmem_shared>>) offsets(%arg10 : memref<80xi32, #tpu.memory_space<vmem>>) semaphore(%run_scoped3A : memref<!tpu.dma_semaphore, #tpu.memory_space<semaphore_mem>>) {add = true}
          %dma_wait3A_135 = arith.constant 0 : i32
          %dma_wait3A_136 = arith.constant 0 : i32
          %dma_wait3A_137 = tpu.memref_slice %arg18[%dma_wait3A_135, %dma_wait3A_136] : memref<10240x128xf32, #tpu.memory_space<vmem_shared>> -> memref<10240x128xf32, #tpu.memory_space<vmem_shared>>
          tpu.wait_indirect_dma semaphore(%run_scoped3A : memref<!tpu.dma_semaphore, #tpu.memory_space<semaphore_mem>>) src(%arg13 : memref<80x128xf32, #tpu.memory_space<vmem>>) dst(%dma_wait3A_137 : memref<10240x128xf32, #tpu.memory_space<vmem_shared>>)
          tpu.yield
        }) : () -> ()
        "tpu.region"() ({
          %run_scoped3A = tpu.sem_alloc : memref<!tpu.dma_semaphore, #tpu.memory_space<semaphore_mem>>
          %dma_start3A_132 = arith.constant 0 : i32
          %dma_start3A_133 = tpu.memref_slice %arg19[%dma_start3A_132] : memref<10240xf32, #tpu.memory_space<vmem_shared>> -> memref<10240xf32, #tpu.memory_space<vmem_shared>>
          tpu.enqueue_indirect_dma source(%arg16 : memref<80xf32, #tpu.memory_space<vmem>>) target(%dma_start3A_133 : memref<10240xf32, #tpu.memory_space<vmem_shared>>) offsets(%arg10 : memref<80xi32, #tpu.memory_space<vmem>>) semaphore(%run_scoped3A : memref<!tpu.dma_semaphore, #tpu.memory_space<semaphore_mem>>) {add = true}
          %dma_wait3A_134 = arith.constant 0 : i32
          %dma_wait3A_135 = tpu.memref_slice %arg19[%dma_wait3A_134] : memref<10240xf32, #tpu.memory_space<vmem_shared>> -> memref<10240xf32, #tpu.memory_space<vmem_shared>>
          tpu.wait_indirect_dma semaphore(%run_scoped3A : memref<!tpu.dma_semaphore, #tpu.memory_space<semaphore_mem>>) src(%arg16 : memref<80xf32, #tpu.memory_space<vmem>>) dst(%dma_wait3A_135 : memref<10240xf32, #tpu.memory_space<vmem_shared>>)
          tpu.yield
        }) : () -> ()
        %add3A_92 = arith.constant 3 : i32
        %add3A_93 = arith.addi %add3A_74, %add3A_92 : i32
        %lt3A_94 = arith.constant 125 : i32
        %lt3A_95 = arith.cmpi slt, %add3A_93, %lt3A_94 : i32
        %convert_element_type3A_96 = arith.extui %lt3A_95 : i1 to i32
        %cond3A_97 = arith.constant 0 : i32
        %cond3A_98 = arith.cmpi ne, %convert_element_type3A_96, %cond3A_97 : i32
        scf.if %cond3A_98 {
          %mul3A_132 = arith.constant 80 : i32
          %mul3A_133 = arith.muli %add3A_93, %mul3A_132 : i32
          %add3A_134 = arith.addi %mul3A_0, %mul3A_133 : i32
          %dma_start3A_135 = tpu.memref_slice %arg6[%add3A_134] : memref<160000xi32, #tpu.memory_space<hbm>> -> memref<80xi32, #tpu.memory_space<hbm>>
          %dma_start3A_136 = tpu.memref_slice %arg6[%add3A_134] : memref<160000xi32, #tpu.memory_space<hbm>> -> memref<80xi32, #tpu.memory_space<hbm>>
          tpu.enqueue_dma source(%dma_start3A_136 : memref<80xi32, #tpu.memory_space<hbm>>) target(%arg10 : memref<80xi32, #tpu.memory_space<vmem>>) target_semaphore(%arg23 : memref<!tpu.dma_semaphore, #tpu.memory_space<semaphore_mem>>)
          %mul3A_137 = arith.constant 80 : i32
          %mul3A_138 = arith.muli %add3A_93, %mul3A_137 : i32
          %dma_start3A_139 = tpu.memref_slice %arg9[%mul3A_138] : memref<10000xi32, #tpu.memory_space<vmem>> -> memref<80xi32, #tpu.memory_space<vmem>>
          %dma_start3A_140 = arith.constant 0 : i32
          %dma_start3A_141 = arith.constant 0 : i32
          %dma_start3A_142 = tpu.memref_slice %arg2[%dma_start3A_140, %dma_start3A_141] : memref<10000x128xf32, #tpu.memory_space<hbm>> -> memref<10000x128xf32, #tpu.memory_space<hbm>>
          tpu.enqueue_indirect_dma source(%dma_start3A_142 : memref<10000x128xf32, #tpu.memory_space<hbm>>) target(%arg13 : memref<80x128xf32, #tpu.memory_space<vmem>>) offsets(%dma_start3A_139 : memref<80xi32, #tpu.memory_space<vmem>>) semaphore(%arg20 : memref<!tpu.dma_semaphore, #tpu.memory_space<semaphore_mem>>)
        } else {
        }
        %add3A_99 = arith.constant 1 : i32
        %add3A_100 = arith.addi %add3A_74, %add3A_99 : i32
        %mul3A_101 = arith.constant 80 : i32
        %mul3A_102 = arith.muli %add3A_100, %mul3A_101 : i32
        %dma_wait3A_103 = tpu.memref_slice %arg9[%mul3A_102] : memref<10000xi32, #tpu.memory_space<vmem>> -> memref<80xi32, #tpu.memory_space<vmem>>
        %dma_wait3A_104 = arith.constant 0 : i32
        %dma_wait3A_105 = arith.constant 0 : i32
        %dma_wait3A_106 = tpu.memref_slice %arg2[%dma_wait3A_104, %dma_wait3A_105] : memref<10000x128xf32, #tpu.memory_space<hbm>> -> memref<10000x128xf32, #tpu.memory_space<hbm>>
        tpu.wait_indirect_dma semaphore(%arg21 : memref<!tpu.dma_semaphore, #tpu.memory_space<semaphore_mem>>) src(%dma_wait3A_106 : memref<10000x128xf32, #tpu.memory_space<hbm>>) dst(%arg14 : memref<80x128xf32, #tpu.memory_space<vmem>>)
        %mul3A_107 = arith.constant 80 : i32
        %mul3A_108 = arith.muli %add3A_100, %mul3A_107 : i32
        %add3A_109 = arith.addi %mul3A_0, %mul3A_108 : i32
        %dma_wait3A_110 = tpu.memref_slice %arg6[%add3A_109] : memref<160000xi32, #tpu.memory_space<hbm>> -> memref<80xi32, #tpu.memory_space<hbm>>
        %dma_wait3A_111 = tpu.memref_slice %arg6[%add3A_109] : memref<160000xi32, #tpu.memory_space<hbm>> -> memref<80xi32, #tpu.memory_space<hbm>>
        tpu.wait_dma2 semaphore(%arg24 : memref<!tpu.dma_semaphore, #tpu.memory_space<semaphore_mem>>) src(%dma_wait3A_111 : memref<80xi32, #tpu.memory_space<hbm>>) dst(%arg11 : memref<80xi32, #tpu.memory_space<vmem>>)
        "tpu.region"() ({
          %run_scoped3A = tpu.sem_alloc : memref<!tpu.dma_semaphore, #tpu.memory_space<semaphore_mem>>
          %dma_start3A_132 = arith.constant 0 : i32
          %dma_start3A_133 = arith.constant 0 : i32
          %dma_start3A_134 = tpu.memref_slice %arg18[%dma_start3A_132, %dma_start3A_133] : memref<10240x128xf32, #tpu.memory_space<vmem_shared>> -> memref<10240x128xf32, #tpu.memory_space<vmem_shared>>
          tpu.enqueue_indirect_dma source(%arg14 : memref<80x128xf32, #tpu.memory_space<vmem>>) target(%dma_start3A_134 : memref<10240x128xf32, #tpu.memory_space<vmem_shared>>) offsets(%arg11 : memref<80xi32, #tpu.memory_space<vmem>>) semaphore(%run_scoped3A : memref<!tpu.dma_semaphore, #tpu.memory_space<semaphore_mem>>) {add = true}
          %dma_wait3A_135 = arith.constant 0 : i32
          %dma_wait3A_136 = arith.constant 0 : i32
          %dma_wait3A_137 = tpu.memref_slice %arg18[%dma_wait3A_135, %dma_wait3A_136] : memref<10240x128xf32, #tpu.memory_space<vmem_shared>> -> memref<10240x128xf32, #tpu.memory_space<vmem_shared>>
          tpu.wait_indirect_dma semaphore(%run_scoped3A : memref<!tpu.dma_semaphore, #tpu.memory_space<semaphore_mem>>) src(%arg14 : memref<80x128xf32, #tpu.memory_space<vmem>>) dst(%dma_wait3A_137 : memref<10240x128xf32, #tpu.memory_space<vmem_shared>>)
          tpu.yield
        }) : () -> ()
        "tpu.region"() ({
          %run_scoped3A = tpu.sem_alloc : memref<!tpu.dma_semaphore, #tpu.memory_space<semaphore_mem>>
          %dma_start3A_132 = arith.constant 0 : i32
          %dma_start3A_133 = tpu.memref_slice %arg19[%dma_start3A_132] : memref<10240xf32, #tpu.memory_space<vmem_shared>> -> memref<10240xf32, #tpu.memory_space<vmem_shared>>
          tpu.enqueue_indirect_dma source(%arg16 : memref<80xf32, #tpu.memory_space<vmem>>) target(%dma_start3A_133 : memref<10240xf32, #tpu.memory_space<vmem_shared>>) offsets(%arg11 : memref<80xi32, #tpu.memory_space<vmem>>) semaphore(%run_scoped3A : memref<!tpu.dma_semaphore, #tpu.memory_space<semaphore_mem>>) {add = true}
          %dma_wait3A_134 = arith.constant 0 : i32
          %dma_wait3A_135 = tpu.memref_slice %arg19[%dma_wait3A_134] : memref<10240xf32, #tpu.memory_space<vmem_shared>> -> memref<10240xf32, #tpu.memory_space<vmem_shared>>
          tpu.wait_indirect_dma semaphore(%run_scoped3A : memref<!tpu.dma_semaphore, #tpu.memory_space<semaphore_mem>>) src(%arg16 : memref<80xf32, #tpu.memory_space<vmem>>) dst(%dma_wait3A_135 : memref<10240xf32, #tpu.memory_space<vmem_shared>>)
          tpu.yield
        }) : () -> ()
        %add3A_112 = arith.constant 4 : i32
        %add3A_113 = arith.addi %add3A_74, %add3A_112 : i32
        %lt3A_114 = arith.constant 125 : i32
        %lt3A_115 = arith.cmpi slt, %add3A_113, %lt3A_114 : i32
        %convert_element_type3A_116 = arith.extui %lt3A_115 : i1 to i32
        %cond3A_117 = arith.constant 0 : i32
        %cond3A_118 = arith.cmpi ne, %convert_element_type3A_116, %cond3A_117 : i32
        scf.if %cond3A_118 {
          %mul3A_132 = arith.constant 80 : i32
          %mul3A_133 = arith.muli %add3A_113, %mul3A_132 : i32
          %add3A_134 = arith.addi %mul3A_0, %mul3A_133 : i32
          %dma_start3A_135 = tpu.memref_slice %arg6[%add3A_134] : memref<160000xi32, #tpu.memory_space<hbm>> -> memref<80xi32, #tpu.memory_space<hbm>>
          %dma_start3A_136 = tpu.memref_slice %arg6[%add3A_134] : memref<160000xi32, #tpu.memory_space<hbm>> -> memref<80xi32, #tpu.memory_space<hbm>>
          tpu.enqueue_dma source(%dma_start3A_136 : memref<80xi32, #tpu.memory_space<hbm>>) target(%arg11 : memref<80xi32, #tpu.memory_space<vmem>>) target_semaphore(%arg24 : memref<!tpu.dma_semaphore, #tpu.memory_space<semaphore_mem>>)
          %mul3A_137 = arith.constant 80 : i32
          %mul3A_138 = arith.muli %add3A_113, %mul3A_137 : i32
          %dma_start3A_139 = tpu.memref_slice %arg9[%mul3A_138] : memref<10000xi32, #tpu.memory_space<vmem>> -> memref<80xi32, #tpu.memory_space<vmem>>
          %dma_start3A_140 = arith.constant 0 : i32
          %dma_start3A_141 = arith.constant 0 : i32
          %dma_start3A_142 = tpu.memref_slice %arg2[%dma_start3A_140, %dma_start3A_141] : memref<10000x128xf32, #tpu.memory_space<hbm>> -> memref<10000x128xf32, #tpu.memory_space<hbm>>
          tpu.enqueue_indirect_dma source(%dma_start3A_142 : memref<10000x128xf32, #tpu.memory_space<hbm>>) target(%arg14 : memref<80x128xf32, #tpu.memory_space<vmem>>) offsets(%dma_start3A_139 : memref<80xi32, #tpu.memory_space<vmem>>) semaphore(%arg21 : memref<!tpu.dma_semaphore, #tpu.memory_space<semaphore_mem>>)
        } else {
        }
        %add3A_119 = arith.constant 2 : i32
        %add3A_120 = arith.addi %add3A_74, %add3A_119 : i32
        %mul3A_121 = arith.constant 80 : i32
        %mul3A_122 = arith.muli %add3A_120, %mul3A_121 : i32
        %dma_wait3A_123 = tpu.memref_slice %arg9[%mul3A_122] : memref<10000xi32, #tpu.memory_space<vmem>> -> memref<80xi32, #tpu.memory_space<vmem>>
        %dma_wait3A_124 = arith.constant 0 : i32
        %dma_wait3A_125 = arith.constant 0 : i32
        %dma_wait3A_126 = tpu.memref_slice %arg2[%dma_wait3A_124, %dma_wait3A_125] : memref<10000x128xf32, #tpu.memory_space<hbm>> -> memref<10000x128xf32, #tpu.memory_space<hbm>>
        tpu.wait_indirect_dma semaphore(%arg22 : memref<!tpu.dma_semaphore, #tpu.memory_space<semaphore_mem>>) src(%dma_wait3A_126 : memref<10000x128xf32, #tpu.memory_space<hbm>>) dst(%arg15 : memref<80x128xf32, #tpu.memory_space<vmem>>)
        %mul3A_127 = arith.constant 80 : i32
        %mul3A_128 = arith.muli %add3A_120, %mul3A_127 : i32
        %add3A_129 = arith.addi %mul3A_0, %mul3A_128 : i32
        %dma_wait3A_130 = tpu.memref_slice %arg6[%add3A_129] : memref<160000xi32, #tpu.memory_space<hbm>> -> memref<80xi32, #tpu.memory_space<hbm>>
        %dma_wait3A_131 = tpu.memref_slice %arg6[%add3A_129] : memref<160000xi32, #tpu.memory_space<hbm>> -> memref<80xi32, #tpu.memory_space<hbm>>
        tpu.wait_dma2 semaphore(%arg25 : memref<!tpu.dma_semaphore, #tpu.memory_space<semaphore_mem>>) src(%dma_wait3A_131 : memref<80xi32, #tpu.memory_space<hbm>>) dst(%arg12 : memref<80xi32, #tpu.memory_space<vmem>>)
        "tpu.region"() ({
          %run_scoped3A = tpu.sem_alloc : memref<!tpu.dma_semaphore, #tpu.memory_space<semaphore_mem>>
          %dma_start3A_132 = arith.constant 0 : i32
          %dma_start3A_133 = arith.constant 0 : i32
          %dma_start3A_134 = tpu.memref_slice %arg18[%dma_start3A_132, %dma_start3A_133] : memref<10240x128xf32, #tpu.memory_space<vmem_shared>> -> memref<10240x128xf32, #tpu.memory_space<vmem_shared>>
          tpu.enqueue_indirect_dma source(%arg15 : memref<80x128xf32, #tpu.memory_space<vmem>>) target(%dma_start3A_134 : memref<10240x128xf32, #tpu.memory_space<vmem_shared>>) offsets(%arg12 : memref<80xi32, #tpu.memory_space<vmem>>) semaphore(%run_scoped3A : memref<!tpu.dma_semaphore, #tpu.memory_space<semaphore_mem>>) {add = true}
          %dma_wait3A_135 = arith.constant 0 : i32
          %dma_wait3A_136 = arith.constant 0 : i32
          %dma_wait3A_137 = tpu.memref_slice %arg18[%dma_wait3A_135, %dma_wait3A_136] : memref<10240x128xf32, #tpu.memory_space<vmem_shared>> -> memref<10240x128xf32, #tpu.memory_space<vmem_shared>>
          tpu.wait_indirect_dma semaphore(%run_scoped3A : memref<!tpu.dma_semaphore, #tpu.memory_space<semaphore_mem>>) src(%arg15 : memref<80x128xf32, #tpu.memory_space<vmem>>) dst(%dma_wait3A_137 : memref<10240x128xf32, #tpu.memory_space<vmem_shared>>)
          tpu.yield
        }) : () -> ()
        "tpu.region"() ({
          %run_scoped3A = tpu.sem_alloc : memref<!tpu.dma_semaphore, #tpu.memory_space<semaphore_mem>>
          %dma_start3A_132 = arith.constant 0 : i32
          %dma_start3A_133 = tpu.memref_slice %arg19[%dma_start3A_132] : memref<10240xf32, #tpu.memory_space<vmem_shared>> -> memref<10240xf32, #tpu.memory_space<vmem_shared>>
          tpu.enqueue_indirect_dma source(%arg16 : memref<80xf32, #tpu.memory_space<vmem>>) target(%dma_start3A_133 : memref<10240xf32, #tpu.memory_space<vmem_shared>>) offsets(%arg12 : memref<80xi32, #tpu.memory_space<vmem>>) semaphore(%run_scoped3A : memref<!tpu.dma_semaphore, #tpu.memory_space<semaphore_mem>>) {add = true}
          %dma_wait3A_134 = arith.constant 0 : i32
          %dma_wait3A_135 = tpu.memref_slice %arg19[%dma_wait3A_134] : memref<10240xf32, #tpu.memory_space<vmem_shared>> -> memref<10240xf32, #tpu.memory_space<vmem_shared>>
          tpu.wait_indirect_dma semaphore(%run_scoped3A : memref<!tpu.dma_semaphore, #tpu.memory_space<semaphore_mem>>) src(%arg16 : memref<80xf32, #tpu.memory_space<vmem>>) dst(%dma_wait3A_135 : memref<10240xf32, #tpu.memory_space<vmem_shared>>)
          tpu.yield
        }) : () -> ()
      }
      %scan3A_51 = arith.constant 41 : i32
      %dma_wait3A_52 = arith.constant 9840 : i32
      %dma_wait3A_53 = tpu.memref_slice %arg9[%dma_wait3A_52] : memref<10000xi32, #tpu.memory_space<vmem>> -> memref<80xi32, #tpu.memory_space<vmem>>
      %dma_wait3A_54 = arith.constant 0 : i32
      %dma_wait3A_55 = arith.constant 0 : i32
      %dma_wait3A_56 = tpu.memref_slice %arg2[%dma_wait3A_54, %dma_wait3A_55] : memref<10000x128xf32, #tpu.memory_space<hbm>> -> memref<10000x128xf32, #tpu.memory_space<hbm>>
      tpu.wait_indirect_dma semaphore(%arg20 : memref<!tpu.dma_semaphore, #tpu.memory_space<semaphore_mem>>) src(%dma_wait3A_56 : memref<10000x128xf32, #tpu.memory_space<hbm>>) dst(%arg13 : memref<80x128xf32, #tpu.memory_space<vmem>>)
      %add3A_57 = arith.constant 9840 : i32
      %add3A_58 = arith.addi %mul3A_0, %add3A_57 : i32
      %dma_wait3A_59 = tpu.memref_slice %arg6[%add3A_58] : memref<160000xi32, #tpu.memory_space<hbm>> -> memref<80xi32, #tpu.memory_space<hbm>>
      %dma_wait3A_60 = tpu.memref_slice %arg6[%add3A_58] : memref<160000xi32, #tpu.memory_space<hbm>> -> memref<80xi32, #tpu.memory_space<hbm>>
      tpu.wait_dma2 semaphore(%arg23 : memref<!tpu.dma_semaphore, #tpu.memory_space<semaphore_mem>>) src(%dma_wait3A_60 : memref<80xi32, #tpu.memory_space<hbm>>) dst(%arg10 : memref<80xi32, #tpu.memory_space<vmem>>)
      "tpu.region"() ({
        %run_scoped3A = tpu.sem_alloc : memref<!tpu.dma_semaphore, #tpu.memory_space<semaphore_mem>>
        %dma_start3A_70 = arith.constant 0 : i32
        %dma_start3A_71 = arith.constant 0 : i32
        %dma_start3A_72 = tpu.memref_slice %arg18[%dma_start3A_70, %dma_start3A_71] : memref<10240x128xf32, #tpu.memory_space<vmem_shared>> -> memref<10240x128xf32, #tpu.memory_space<vmem_shared>>
        tpu.enqueue_indirect_dma source(%arg13 : memref<80x128xf32, #tpu.memory_space<vmem>>) target(%dma_start3A_72 : memref<10240x128xf32, #tpu.memory_space<vmem_shared>>) offsets(%arg10 : memref<80xi32, #tpu.memory_space<vmem>>) semaphore(%run_scoped3A : memref<!tpu.dma_semaphore, #tpu.memory_space<semaphore_mem>>) {add = true}
        %dma_wait3A_73 = arith.constant 0 : i32
        %dma_wait3A_74 = arith.constant 0 : i32
        %dma_wait3A_75 = tpu.memref_slice %arg18[%dma_wait3A_73, %dma_wait3A_74] : memref<10240x128xf32, #tpu.memory_space<vmem_shared>> -> memref<10240x128xf32, #tpu.memory_space<vmem_shared>>
        tpu.wait_indirect_dma semaphore(%run_scoped3A : memref<!tpu.dma_semaphore, #tpu.memory_space<semaphore_mem>>) src(%arg13 : memref<80x128xf32, #tpu.memory_space<vmem>>) dst(%dma_wait3A_75 : memref<10240x128xf32, #tpu.memory_space<vmem_shared>>)
        tpu.yield
      }) : () -> ()
      "tpu.region"() ({
        %run_scoped3A = tpu.sem_alloc : memref<!tpu.dma_semaphore, #tpu.memory_space<semaphore_mem>>
        %dma_start3A_70 = arith.constant 0 : i32
        %dma_start3A_71 = tpu.memref_slice %arg19[%dma_start3A_70] : memref<10240xf32, #tpu.memory_space<vmem_shared>> -> memref<10240xf32, #tpu.memory_space<vmem_shared>>
        tpu.enqueue_indirect_dma source(%arg16 : memref<80xf32, #tpu.memory_space<vmem>>) target(%dma_start3A_71 : memref<10240xf32, #tpu.memory_space<vmem_shared>>) offsets(%arg10 : memref<80xi32, #tpu.memory_space<vmem>>) semaphore(%run_scoped3A : memref<!tpu.dma_semaphore, #tpu.memory_space<semaphore_mem>>) {add = true}
        %dma_wait3A_72 = arith.constant 0 : i32
        %dma_wait3A_73 = tpu.memref_slice %arg19[%dma_wait3A_72] : memref<10240xf32, #tpu.memory_space<vmem_shared>> -> memref<10240xf32, #tpu.memory_space<vmem_shared>>
        tpu.wait_indirect_dma semaphore(%run_scoped3A : memref<!tpu.dma_semaphore, #tpu.memory_space<semaphore_mem>>) src(%arg16 : memref<80xf32, #tpu.memory_space<vmem>>) dst(%dma_wait3A_73 : memref<10240xf32, #tpu.memory_space<vmem_shared>>)
        tpu.yield
      }) : () -> ()
      %dma_wait3A_61 = arith.constant 9920 : i32
      %dma_wait3A_62 = tpu.memref_slice %arg9[%dma_wait3A_61] : memref<10000xi32, #tpu.memory_space<vmem>> -> memref<80xi32, #tpu.memory_space<vmem>>
      %dma_wait3A_63 = arith.constant 0 : i32
      %dma_wait3A_64 = arith.constant 0 : i32
      %dma_wait3A_65 = tpu.memref_slice %arg2[%dma_wait3A_63, %dma_wait3A_64] : memref<10000x128xf32, #tpu.memory_space<hbm>> -> memref<10000x128xf32, #tpu.memory_space<hbm>>
      tpu.wait_indirect_dma semaphore(%arg21 : memref<!tpu.dma_semaphore, #tpu.memory_space<semaphore_mem>>) src(%dma_wait3A_65 : memref<10000x128xf32, #tpu.memory_space<hbm>>) dst(%arg14 : memref<80x128xf32, #tpu.memory_space<vmem>>)
      %add3A_66 = arith.constant 9920 : i32
      %add3A_67 = arith.addi %mul3A_0, %add3A_66 : i32
      %dma_wait3A_68 = tpu.memref_slice %arg6[%add3A_67] : memref<160000xi32, #tpu.memory_space<hbm>> -> memref<80xi32, #tpu.memory_space<hbm>>
      %dma_wait3A_69 = tpu.memref_slice %arg6[%add3A_67] : memref<160000xi32, #tpu.memory_space<hbm>> -> memref<80xi32, #tpu.memory_space<hbm>>
      tpu.wait_dma2 semaphore(%arg24 : memref<!tpu.dma_semaphore, #tpu.memory_space<semaphore_mem>>) src(%dma_wait3A_69 : memref<80xi32, #tpu.memory_space<hbm>>) dst(%arg11 : memref<80xi32, #tpu.memory_space<vmem>>)
      "tpu.region"() ({
        %run_scoped3A = tpu.sem_alloc : memref<!tpu.dma_semaphore, #tpu.memory_space<semaphore_mem>>
        %dma_start3A_70 = arith.constant 0 : i32
        %dma_start3A_71 = arith.constant 0 : i32
        %dma_start3A_72 = tpu.memref_slice %arg18[%dma_start3A_70, %dma_start3A_71] : memref<10240x128xf32, #tpu.memory_space<vmem_shared>> -> memref<10240x128xf32, #tpu.memory_space<vmem_shared>>
        tpu.enqueue_indirect_dma source(%arg14 : memref<80x128xf32, #tpu.memory_space<vmem>>) target(%dma_start3A_72 : memref<10240x128xf32, #tpu.memory_space<vmem_shared>>) offsets(%arg11 : memref<80xi32, #tpu.memory_space<vmem>>) semaphore(%run_scoped3A : memref<!tpu.dma_semaphore, #tpu.memory_space<semaphore_mem>>) {add = true}
        %dma_wait3A_73 = arith.constant 0 : i32
        %dma_wait3A_74 = arith.constant 0 : i32
        %dma_wait3A_75 = tpu.memref_slice %arg18[%dma_wait3A_73, %dma_wait3A_74] : memref<10240x128xf32, #tpu.memory_space<vmem_shared>> -> memref<10240x128xf32, #tpu.memory_space<vmem_shared>>
        tpu.wait_indirect_dma semaphore(%run_scoped3A : memref<!tpu.dma_semaphore, #tpu.memory_space<semaphore_mem>>) src(%arg14 : memref<80x128xf32, #tpu.memory_space<vmem>>) dst(%dma_wait3A_75 : memref<10240x128xf32, #tpu.memory_space<vmem_shared>>)
        tpu.yield
      }) : () -> ()
      "tpu.region"() ({
        %run_scoped3A = tpu.sem_alloc : memref<!tpu.dma_semaphore, #tpu.memory_space<semaphore_mem>>
        %dma_start3A_70 = arith.constant 0 : i32
        %dma_start3A_71 = tpu.memref_slice %arg19[%dma_start3A_70] : memref<10240xf32, #tpu.memory_space<vmem_shared>> -> memref<10240xf32, #tpu.memory_space<vmem_shared>>
        tpu.enqueue_indirect_dma source(%arg16 : memref<80xf32, #tpu.memory_space<vmem>>) target(%dma_start3A_71 : memref<10240xf32, #tpu.memory_space<vmem_shared>>) offsets(%arg11 : memref<80xi32, #tpu.memory_space<vmem>>) semaphore(%run_scoped3A : memref<!tpu.dma_semaphore, #tpu.memory_space<semaphore_mem>>) {add = true}
        %dma_wait3A_72 = arith.constant 0 : i32
        %dma_wait3A_73 = tpu.memref_slice %arg19[%dma_wait3A_72] : memref<10240xf32, #tpu.memory_space<vmem_shared>> -> memref<10240xf32, #tpu.memory_space<vmem_shared>>
        tpu.wait_indirect_dma semaphore(%run_scoped3A : memref<!tpu.dma_semaphore, #tpu.memory_space<semaphore_mem>>) src(%arg16 : memref<80xf32, #tpu.memory_space<vmem>>) dst(%dma_wait3A_73 : memref<10240xf32, #tpu.memory_space<vmem_shared>>)
        tpu.yield
      }) : () -> ()
    } else {
    }
    %barrier3A_27 = arith.constant 0 : index
    tpu.barrier barrier_id(%barrier3A_27)
    "tpu.region"() ({
      %run_scoped3A = tpu.sem_alloc : memref<!tpu.dma_semaphore, #tpu.memory_space<semaphore_mem>>
      %dma_start3A = arith.constant 0 : i32
      %dma_start3A_28 = tpu.memref_slice %arg7[%arg0, %mul3A_14, %dma_start3A] : memref<2x10240x128xf32, #tpu.memory_space<hbm>> -> memref<1x640x128xf32, #tpu.memory_space<hbm>>
      %dma_start3A_29 = tpu.memref_squeeze %dma_start3A_28 : memref<1x640x128xf32, #tpu.memory_space<hbm>> -> memref<640x128xf32, #tpu.memory_space<hbm>>
      %dma_start3A_30 = arith.constant 0 : i32
      %dma_start3A_31 = tpu.memref_slice %arg18[%mul3A_14, %dma_start3A_30] : memref<10240x128xf32, #tpu.memory_space<vmem_shared>> -> memref<640x128xf32, #tpu.memory_space<vmem_shared>>
      tpu.enqueue_dma source(%dma_start3A_31 : memref<640x128xf32, #tpu.memory_space<vmem_shared>>) target(%dma_start3A_29 : memref<640x128xf32, #tpu.memory_space<hbm>>) target_semaphore(%run_scoped3A : memref<!tpu.dma_semaphore, #tpu.memory_space<semaphore_mem>>)
      %dma_wait3A = arith.constant 0 : i32
      %dma_wait3A_32 = tpu.memref_slice %arg7[%arg0, %mul3A_14, %dma_wait3A] : memref<2x10240x128xf32, #tpu.memory_space<hbm>> -> memref<1x640x128xf32, #tpu.memory_space<hbm>>
      %dma_wait3A_33 = tpu.memref_squeeze %dma_wait3A_32 : memref<1x640x128xf32, #tpu.memory_space<hbm>> -> memref<640x128xf32, #tpu.memory_space<hbm>>
      %dma_wait3A_34 = arith.constant 0 : i32
      %dma_wait3A_35 = tpu.memref_slice %arg18[%mul3A_14, %dma_wait3A_34] : memref<10240x128xf32, #tpu.memory_space<vmem_shared>> -> memref<640x128xf32, #tpu.memory_space<vmem_shared>>
      tpu.wait_dma2 semaphore(%run_scoped3A : memref<!tpu.dma_semaphore, #tpu.memory_space<semaphore_mem>>) src(%dma_wait3A_35 : memref<640x128xf32, #tpu.memory_space<vmem_shared>>) dst(%dma_wait3A_33 : memref<640x128xf32, #tpu.memory_space<hbm>>)
      tpu.yield
    }) : () -> ()
    "tpu.region"() ({
      %run_scoped3A = tpu.sem_alloc : memref<!tpu.dma_semaphore, #tpu.memory_space<semaphore_mem>>
      %dma_start3A = tpu.memref_slice %arg8[%arg0, %mul3A_14] : memref<2x10240xf32, #tpu.memory_space<hbm>> -> memref<1x640xf32, #tpu.memory_space<hbm>>
      %dma_start3A_28 = tpu.memref_squeeze %dma_start3A : memref<1x640xf32, #tpu.memory_space<hbm>> -> memref<640xf32, #tpu.memory_space<hbm>>
      %dma_start3A_29 = tpu.memref_slice %arg19[%mul3A_14] : memref<10240xf32, #tpu.memory_space<vmem_shared>> -> memref<640xf32, #tpu.memory_space<vmem_shared>>
      tpu.enqueue_dma source(%dma_start3A_29 : memref<640xf32, #tpu.memory_space<vmem_shared>>) target(%dma_start3A_28 : memref<640xf32, #tpu.memory_space<hbm>>) target_semaphore(%run_scoped3A : memref<!tpu.dma_semaphore, #tpu.memory_space<semaphore_mem>>)
      %dma_wait3A = tpu.memref_slice %arg8[%arg0, %mul3A_14] : memref<2x10240xf32, #tpu.memory_space<hbm>> -> memref<1x640xf32, #tpu.memory_space<hbm>>
      %dma_wait3A_30 = tpu.memref_squeeze %dma_wait3A : memref<1x640xf32, #tpu.memory_space<hbm>> -> memref<640xf32, #tpu.memory_space<hbm>>
      %dma_wait3A_31 = tpu.memref_slice %arg19[%mul3A_14] : memref<10240xf32, #tpu.memory_space<vmem_shared>> -> memref<640xf32, #tpu.memory_space<vmem_shared>>
      tpu.wait_dma2 semaphore(%run_scoped3A : memref<!tpu.dma_semaphore, #tpu.memory_space<semaphore_mem>>) src(%dma_wait3A_31 : memref<640xf32, #tpu.memory_space<vmem_shared>>) dst(%dma_wait3A_30 : memref<640xf32, #tpu.memory_space<hbm>>)
      tpu.yield
    }) : () -> ()
    return
  }
}

module attributes {stable_mosaic.version = 14 : i64} {
  func.func @_tc_pre_body(%arg0: i32, %arg1: memref<1000x128xf32, #tpu.memory_space<vmem>>, %arg2: memref<128x128xf32, #tpu.memory_space<vmem>>, %arg3: memref<1x128xf32, #tpu.memory_space<vmem>>, %arg4: memref<1000x128xf32, #tpu.memory_space<vmem>>) attributes {dimension_semantics = [#tpu.dimension_semantics<arbitrary>], iteration_bounds = array<i64: 10>, scalar_prefetch = 0 : i64, scratch_operands = 0 : i64, tpu.core_type = #tpu.core_type<tc>, window_params = [{transform_indices = @transform_0, window_bounds = array<i64: 1000, 128>}, {pipeline_mode = #tpu.pipeline_mode<synchronous>, transform_indices = @transform_1, window_bounds = array<i64: 128, 128>}, {pipeline_mode = #tpu.pipeline_mode<synchronous>, transform_indices = @transform_2, window_bounds = array<i64: 1, 128>}, {transform_indices = @transform_3, window_bounds = array<i64: 1000, 128>}]} {
    %get3A = arith.constant 0 : index
    %get3A_0 = arith.constant 0 : index
    %get3A_1 = vector.load %arg1[%get3A, %get3A_0] : memref<1000x128xf32, #tpu.memory_space<vmem>>, vector<1000x128xf32>
    %get3A_2 = arith.constant 0 : index
    %get3A_3 = arith.constant 0 : index
    %get3A_4 = vector.load %arg2[%get3A_2, %get3A_3] : memref<128x128xf32, #tpu.memory_space<vmem>>, vector<128x128xf32>
    %dot_general3A = arith.constant dense<0.000000e+00> : vector<1000x128xf32>
    %dot_general3A_5 = tpu.matmul %get3A_1, %get3A_4, %dot_general3A {dimension_numbers = #tpu.dot_dimension_numbers<[1], [0], [0], [1], [0, 0, 1, 1], [], []>, precision = #tpu.contract_precision<fp32>, transpose_lhs_hint = false} : vector<1000x128xf32>, vector<128x128xf32>, vector<1000x128xf32> -> vector<1000x128xf32>
    %get3A_6 = arith.constant 0 : index
    %get3A_7 = arith.constant 0 : index
    %get3A_8 = vector.load %arg3[%get3A_6, %get3A_7] : memref<1x128xf32, #tpu.memory_space<vmem>>, vector<1x128xf32>
    %add3A = vector.broadcast %get3A_8 : vector<1x128xf32> to vector<1000x128xf32>
    %add3A_9 = arith.addf %dot_general3A_5, %add3A : vector<1000x128xf32>
    %swap3A = arith.constant 0 : index
    %swap3A_10 = arith.constant 0 : index
    %swap3A_11 = vector.load %arg4[%swap3A, %swap3A_10] : memref<1000x128xf32, #tpu.memory_space<vmem>>, vector<1000x128xf32>
    tpu.vector_store %arg4[%swap3A, %swap3A_10], %add3A_9 {strides = array<i32>} : memref<1000x128xf32, #tpu.memory_space<vmem>>, vector<1000x128xf32>,
    return
  }
  func.func @transform_0(%arg0: i32) -> (i32, i32) {
    %c0_i32 = arith.constant 0 : i32
    %c0_i32_0 = arith.constant 0 : i32
    return %arg0, %c0_i32 : i32, i32
  }
  func.func @transform_1(%arg0: i32) -> (i32, i32) {
    %c0_i32 = arith.constant 0 : i32
    %c0_i32_0 = arith.constant 0 : i32
    %c0_i32_1 = arith.constant 0 : i32
    return %c0_i32, %c0_i32_0 : i32, i32
  }
  func.func @transform_2(%arg0: i32) -> (i32, i32) {
    %c0_i32 = arith.constant 0 : i32
    %c0_i32_0 = arith.constant 0 : i32
    %c0_i32_1 = arith.constant 0 : i32
    return %c0_i32, %c0_i32_0 : i32, i32
  }
  func.func @transform_3(%arg0: i32) -> (i32, i32) {
    %c0_i32 = arith.constant 0 : i32
    %c0_i32_0 = arith.constant 0 : i32
    return %arg0, %c0_i32 : i32, i32
  }
}

module attributes {stable_mosaic.version = 14 : i64} {
  func.func @_detile_body(%arg0: i32, %arg1: memref<2x16384xi32, #tpu.memory_space<vmem>>, %arg2: memref<2x16384xi32, #tpu.memory_space<vmem>>, %arg3: memref<16384xi32, #tpu.memory_space<vmem>>, %arg4: memref<16384xi32, #tpu.memory_space<vmem>>, %arg5: memref<16384xi32, #tpu.memory_space<vmem>>, %arg6: memref<16384xi32, #tpu.memory_space<vmem>>) attributes {dimension_semantics = [#tpu.dimension_semantics<arbitrary>], iteration_bounds = array<i64: 10>, scalar_prefetch = 0 : i64, scratch_operands = 0 : i64, tpu.core_type = #tpu.core_type<tc>, window_params = [{transform_indices = @transform_0, window_bounds = array<i64: 2, 16384>}, {transform_indices = @transform_1, window_bounds = array<i64: 2, 16384>}, {transform_indices = @transform_2, window_bounds = array<i64: 16384>}, {transform_indices = @transform_3, window_bounds = array<i64: 16384>}, {transform_indices = @transform_4, window_bounds = array<i64: 16384>}, {transform_indices = @transform_5, window_bounds = array<i64: 16384>}]} {
    %get3A = arith.constant 0 : index
    %get3A_0 = arith.constant 0 : index
    %get3A_1 = vector.load %arg1[%get3A, %get3A_0] : memref<2x16384xi32, #tpu.memory_space<vmem>>, vector<1x16384xi32>
    %get3A_2 = vector.shape_cast %get3A_1 : vector<1x16384xi32> to vector<16384xi32>
    %swap3A = arith.constant 0 : index
    %swap3A_3 = vector.load %arg3[%swap3A] : memref<16384xi32, #tpu.memory_space<vmem>>, vector<16384xi32>
    tpu.vector_store %arg3[%swap3A], %get3A_2 {strides = array<i32>} : memref<16384xi32, #tpu.memory_space<vmem>>, vector<16384xi32>,
    %get3A_4 = arith.constant 1 : index
    %get3A_5 = arith.constant 0 : index
    %get3A_6 = vector.load %arg1[%get3A_4, %get3A_5] : memref<2x16384xi32, #tpu.memory_space<vmem>>, vector<1x16384xi32>
    %get3A_7 = vector.shape_cast %get3A_6 : vector<1x16384xi32> to vector<16384xi32>
    %swap3A_8 = arith.constant 0 : index
    %swap3A_9 = vector.load %arg4[%swap3A_8] : memref<16384xi32, #tpu.memory_space<vmem>>, vector<16384xi32>
    tpu.vector_store %arg4[%swap3A_8], %get3A_7 {strides = array<i32>} : memref<16384xi32, #tpu.memory_space<vmem>>, vector<16384xi32>,
    %get3A_10 = arith.constant 0 : index
    %get3A_11 = arith.constant 0 : index
    %get3A_12 = vector.load %arg2[%get3A_10, %get3A_11] : memref<2x16384xi32, #tpu.memory_space<vmem>>, vector<1x16384xi32>
    %get3A_13 = vector.shape_cast %get3A_12 : vector<1x16384xi32> to vector<16384xi32>
    %swap3A_14 = arith.constant 0 : index
    %swap3A_15 = vector.load %arg5[%swap3A_14] : memref<16384xi32, #tpu.memory_space<vmem>>, vector<16384xi32>
    tpu.vector_store %arg5[%swap3A_14], %get3A_13 {strides = array<i32>} : memref<16384xi32, #tpu.memory_space<vmem>>, vector<16384xi32>,
    %get3A_16 = arith.constant 1 : index
    %get3A_17 = arith.constant 0 : index
    %get3A_18 = vector.load %arg2[%get3A_16, %get3A_17] : memref<2x16384xi32, #tpu.memory_space<vmem>>, vector<1x16384xi32>
    %get3A_19 = vector.shape_cast %get3A_18 : vector<1x16384xi32> to vector<16384xi32>
    %swap3A_20 = arith.constant 0 : index
    %swap3A_21 = vector.load %arg6[%swap3A_20] : memref<16384xi32, #tpu.memory_space<vmem>>, vector<16384xi32>
    tpu.vector_store %arg6[%swap3A_20], %get3A_19 {strides = array<i32>} : memref<16384xi32, #tpu.memory_space<vmem>>, vector<16384xi32>,
    return
  }
  func.func @transform_0(%arg0: i32) -> (i32, i32) {
    %c0_i32 = arith.constant 0 : i32
    %c0_i32_0 = arith.constant 0 : i32
    return %c0_i32, %arg0 : i32, i32
  }
  func.func @transform_1(%arg0: i32) -> (i32, i32) {
    %c0_i32 = arith.constant 0 : i32
    %c0_i32_0 = arith.constant 0 : i32
    return %c0_i32, %arg0 : i32, i32
  }
  func.func @transform_2(%arg0: i32) -> i32 {
    %c0_i32 = arith.constant 0 : i32
    return %arg0 : i32
  }
  func.func @transform_3(%arg0: i32) -> i32 {
    %c0_i32 = arith.constant 0 : i32
    return %arg0 : i32
  }
  func.func @transform_4(%arg0: i32) -> i32 {
    %c0_i32 = arith.constant 0 : i32
    return %arg0 : i32
  }
  func.func @transform_5(%arg0: i32) -> i32 {
    %c0_i32 = arith.constant 0 : i32
    return %arg0 : i32
  }
}

module attributes {stable_mosaic.version = 14 : i64} {
  func.func @_tc_post_body(%arg0: i32, %arg1: memref<2x10240x128xf32, #tpu.memory_space<any>>, %arg2: memref<2x1000x1xf32, #tpu.memory_space<vmem>>, %arg3: memref<1000x128xf32, #tpu.memory_space<vmem>>, %arg4: memref<128x128xf32, #tpu.memory_space<vmem>>, %arg5: memref<128x128xf32, #tpu.memory_space<vmem>>, %arg6: memref<1000x128xf32, #tpu.memory_space<vmem>>, %arg7: memref<1000x128xf32, #tpu.memory_space<vmem>>, %arg8: memref<1000x128xf32, #tpu.memory_space<vmem>>, %arg9: memref<!tpu.dma_semaphore, #tpu.memory_space<semaphore_mem>>, %arg10: memref<!tpu.dma_semaphore, #tpu.memory_space<semaphore_mem>>) attributes {dimension_semantics = [#tpu.dimension_semantics<arbitrary>], iteration_bounds = array<i64: 10>, scalar_prefetch = 0 : i64, scratch_operands = 4 : i64, tpu.core_type = #tpu.core_type<tc>, window_params = [{}, {transform_indices = @transform_1, window_bounds = array<i64: 2, 1000, 1>}, {transform_indices = @transform_2, window_bounds = array<i64: 1000, 128>}, {pipeline_mode = #tpu.pipeline_mode<synchronous>, transform_indices = @transform_3, window_bounds = array<i64: 128, 128>}, {pipeline_mode = #tpu.pipeline_mode<synchronous>, transform_indices = @transform_4, window_bounds = array<i64: 128, 128>}, {transform_indices = @transform_5, window_bounds = array<i64: 1000, 128>}]} {
    %mul3A = arith.constant 1000 : i32
    %mul3A_0 = arith.muli %arg0, %mul3A : i32
    %mul3A_1 = arith.constant 1000 : i32
    %mul3A_2 = arith.muli %arg0, %mul3A_1 : i32
    %dma_start3A = arith.constant 0 : i32
    %dma_start3A_3 = arith.constant 0 : i32
    %dma_start3A_4 = tpu.memref_slice %arg1[%dma_start3A, %mul3A_0, %dma_start3A_3] : memref<2x10240x128xf32, #tpu.memory_space<any>> -> memref<1x1000x128xf32, #tpu.memory_space<any>>
    %dma_start3A_5 = tpu.memref_squeeze %dma_start3A_4 : memref<1x1000x128xf32, #tpu.memory_space<any>> -> memref<1000x128xf32, #tpu.memory_space<any>>
    tpu.enqueue_dma source(%dma_start3A_5 : memref<1000x128xf32, #tpu.memory_space<any>>) target(%arg7 : memref<1000x128xf32, #tpu.memory_space<vmem>>) target_semaphore(%arg9 : memref<!tpu.dma_semaphore, #tpu.memory_space<semaphore_mem>>)
    %dma_start3A_6 = arith.constant 1 : i32
    %dma_start3A_7 = arith.constant 0 : i32
    %dma_start3A_8 = tpu.memref_slice %arg1[%dma_start3A_6, %mul3A_2, %dma_start3A_7] : memref<2x10240x128xf32, #tpu.memory_space<any>> -> memref<1x1000x128xf32, #tpu.memory_space<any>>
    %dma_start3A_9 = tpu.memref_squeeze %dma_start3A_8 : memref<1x1000x128xf32, #tpu.memory_space<any>> -> memref<1000x128xf32, #tpu.memory_space<any>>
    tpu.enqueue_dma source(%dma_start3A_9 : memref<1000x128xf32, #tpu.memory_space<any>>) target(%arg8 : memref<1000x128xf32, #tpu.memory_space<vmem>>) target_semaphore(%arg10 : memref<!tpu.dma_semaphore, #tpu.memory_space<semaphore_mem>>)
    %get3A = arith.constant 0 : index
    %get3A_10 = arith.constant 0 : index
    %get3A_11 = arith.constant 0 : index
    %get3A_12 = vector.load %arg2[%get3A, %get3A_10, %get3A_11] : memref<2x1000x1xf32, #tpu.memory_space<vmem>>, vector<1x1000x1xf32>
    %get3A_13 = vector.shape_cast %get3A_12 : vector<1x1000x1xf32> to vector<1000x1xf32>
    %max3A = arith.constant 1.000000e+00 : f32
    %max3A_14 = vector.broadcast %max3A : f32 to vector<1000x1xf32>
    %max3A_15 = arith.maximumf %get3A_13, %max3A_14 : vector<1000x1xf32>
    %get3A_16 = arith.constant 1 : index
    %get3A_17 = arith.constant 0 : index
    %get3A_18 = arith.constant 0 : index
    %get3A_19 = vector.load %arg2[%get3A_16, %get3A_17, %get3A_18] : memref<2x1000x1xf32, #tpu.memory_space<vmem>>, vector<1x1000x1xf32>
    %get3A_20 = vector.shape_cast %get3A_19 : vector<1x1000x1xf32> to vector<1000x1xf32>
    %max3A_21 = arith.constant 1.000000e+00 : f32
    %max3A_22 = vector.broadcast %max3A_21 : f32 to vector<1000x1xf32>
    %max3A_23 = arith.maximumf %get3A_20, %max3A_22 : vector<1000x1xf32>
    %dma_wait3A = arith.constant 0 : i32
    %dma_wait3A_24 = arith.constant 0 : i32
    %dma_wait3A_25 = tpu.memref_slice %arg1[%dma_wait3A, %mul3A_0, %dma_wait3A_24] : memref<2x10240x128xf32, #tpu.memory_space<any>> -> memref<1x1000x128xf32, #tpu.memory_space<any>>
    %dma_wait3A_26 = tpu.memref_squeeze %dma_wait3A_25 : memref<1x1000x128xf32, #tpu.memory_space<any>> -> memref<1000x128xf32, #tpu.memory_space<any>>
    tpu.wait_dma2 semaphore(%arg9 : memref<!tpu.dma_semaphore, #tpu.memory_space<semaphore_mem>>) src(%dma_wait3A_26 : memref<1000x128xf32, #tpu.memory_space<any>>) dst(%arg7 : memref<1000x128xf32, #tpu.memory_space<vmem>>)
    %get3A_27 = arith.constant 0 : index
    %get3A_28 = arith.constant 0 : index
    %get3A_29 = vector.load %arg7[%get3A_27, %get3A_28] : memref<1000x128xf32, #tpu.memory_space<vmem>>, vector<1000x128xf32>
    %get3A_30 = arith.constant 0 : index
    %get3A_31 = arith.constant 0 : index
    %get3A_32 = vector.load %arg4[%get3A_30, %get3A_31] : memref<128x128xf32, #tpu.memory_space<vmem>>, vector<128x128xf32>
    %dot_general3A = arith.constant dense<0.000000e+00> : vector<1000x128xf32>
    %dot_general3A_33 = tpu.matmul %get3A_29, %get3A_32, %dot_general3A {dimension_numbers = #tpu.dot_dimension_numbers<[1], [0], [0], [1], [0, 0, 1, 1], [], []>, precision = #tpu.contract_precision<fp32>, transpose_lhs_hint = false} : vector<1000x128xf32>, vector<128x128xf32>, vector<1000x128xf32> -> vector<1000x128xf32>
    %div3A = vector.broadcast %max3A_15 : vector<1000x1xf32> to vector<1000x128xf32>
    %div3A_34 = arith.divf %dot_general3A_33, %div3A : vector<1000x128xf32>
    %dma_wait3A_35 = arith.constant 1 : i32
    %dma_wait3A_36 = arith.constant 0 : i32
    %dma_wait3A_37 = tpu.memref_slice %arg1[%dma_wait3A_35, %mul3A_2, %dma_wait3A_36] : memref<2x10240x128xf32, #tpu.memory_space<any>> -> memref<1x1000x128xf32, #tpu.memory_space<any>>
    %dma_wait3A_38 = tpu.memref_squeeze %dma_wait3A_37 : memref<1x1000x128xf32, #tpu.memory_space<any>> -> memref<1000x128xf32, #tpu.memory_space<any>>
    tpu.wait_dma2 semaphore(%arg10 : memref<!tpu.dma_semaphore, #tpu.memory_space<semaphore_mem>>) src(%dma_wait3A_38 : memref<1000x128xf32, #tpu.memory_space<any>>) dst(%arg8 : memref<1000x128xf32, #tpu.memory_space<vmem>>)
    %get3A_39 = arith.constant 0 : index
    %get3A_40 = arith.constant 0 : index
    %get3A_41 = vector.load %arg8[%get3A_39, %get3A_40] : memref<1000x128xf32, #tpu.memory_space<vmem>>, vector<1000x128xf32>
    %get3A_42 = arith.constant 0 : index
    %get3A_43 = arith.constant 0 : index
    %get3A_44 = vector.load %arg5[%get3A_42, %get3A_43] : memref<128x128xf32, #tpu.memory_space<vmem>>, vector<128x128xf32>
    %dot_general3A_45 = arith.constant dense<0.000000e+00> : vector<1000x128xf32>
    %dot_general3A_46 = tpu.matmul %get3A_41, %get3A_44, %dot_general3A_45 {dimension_numbers = #tpu.dot_dimension_numbers<[1], [0], [0], [1], [0, 0, 1, 1], [], []>, precision = #tpu.contract_precision<fp32>, transpose_lhs_hint = false} : vector<1000x128xf32>, vector<128x128xf32>, vector<1000x128xf32> -> vector<1000x128xf32>
    %div3A_47 = vector.broadcast %max3A_23 : vector<1000x1xf32> to vector<1000x128xf32>
    %div3A_48 = arith.divf %dot_general3A_46, %div3A_47 : vector<1000x128xf32>
    %add3A = arith.addf %div3A_34, %div3A_48 : vector<1000x128xf32>
    %get3A_49 = arith.constant 0 : index
    %get3A_50 = arith.constant 0 : index
    %get3A_51 = vector.load %arg3[%get3A_49, %get3A_50] : memref<1000x128xf32, #tpu.memory_space<vmem>>, vector<1000x128xf32>
    %add3A_52 = arith.addf %add3A, %get3A_51 : vector<1000x128xf32>
    %tanh3A = math.tanh %add3A_52 : vector<1000x128xf32>
    %swap3A = arith.constant 0 : index
    %swap3A_53 = arith.constant 0 : index
    %swap3A_54 = vector.load %arg6[%swap3A, %swap3A_53] : memref<1000x128xf32, #tpu.memory_space<vmem>>, vector<1000x128xf32>
    tpu.vector_store %arg6[%swap3A, %swap3A_53], %tanh3A {strides = array<i32>} : memref<1000x128xf32, #tpu.memory_space<vmem>>, vector<1000x128xf32>,
    return
  }
  func.func @transform_1(%arg0: i32) -> (i32, i32, i32) {
    %c0_i32 = arith.constant 0 : i32
    %c0_i32_0 = arith.constant 0 : i32
    %c0_i32_1 = arith.constant 0 : i32
    return %c0_i32, %arg0, %c0_i32_0 : i32, i32, i32
  }
  func.func @transform_2(%arg0: i32) -> (i32, i32) {
    %c0_i32 = arith.constant 0 : i32
    %c0_i32_0 = arith.constant 0 : i32
    return %arg0, %c0_i32 : i32, i32
  }
  func.func @transform_3(%arg0: i32) -> (i32, i32) {
    %c0_i32 = arith.constant 0 : i32
    %c0_i32_0 = arith.constant 0 : i32
    %c0_i32_1 = arith.constant 0 : i32
    return %c0_i32, %c0_i32_0 : i32, i32
  }
  func.func @transform_4(%arg0: i32) -> (i32, i32) {
    %c0_i32 = arith.constant 0 : i32
    %c0_i32_0 = arith.constant 0 : i32
    %c0_i32_1 = arith.constant 0 : i32
    return %c0_i32, %c0_i32_0 : i32, i32
  }
  func.func @transform_5(%arg0: i32) -> (i32, i32) {
    %c0_i32 = arith.constant 0 : i32
    %c0_i32_0 = arith.constant 0 : i32
    return %arg0, %c0_i32 : i32, i32
  }
}

</mosaic_0001>

<sc_bundles>
// kernel: kernel.6.cloned.1.call-start
scs
__scs_entry_jumppad:
0x0: {  	(pc) =	sbr.rel $0x88, $3  }
0x1: {  	(tag) =	ssettag $0x0;
	lr =	simm.s32 $0x1  }
0x2: {  	[smem:$0x3F9B] =	sst lr;
	_ =	strace $0xD0000000  }
0x3: {  	_ = 	snop  }
0x4: {  	_ = 	snop  }
0x5: {  	_ = 	snop  }
0x6: {  	_ = 	snop  }
0x7: {  	_ = 	snop  }
__scs_overlays_trampoline_lowered:
0x8: {  	[smem:$0x3FAA] =	sst s0  }
0x9: {  	[smem:$0x3FAB] =	sst s1  }
0xa: {  	[smem:$0x3FAC] =	sst s2  }
0xb: {  	[smem:$0x3FAD] =	sst s3  }
0xc: {  	[smem:$0x3FAE] =	sst s4  }
0xd: {  	[smem:$0x3FAF] =	sst s5  }
0xe: {  	[smem:$0x3FB0] =	sst s6  }
0xf: {  	[smem:$0x3FB1] =	sst s7  }
0x10: {  	[smem:$0x3FB2] =	sst s8  }
0x11: {  	[smem:$0x3FB3] =	sst s9;
	s0 =	simm.s32 @!p0 $0x0  }
0x12: {  	s1 =	sld [smem:$0x3F99];
	s0 =	simm.s32 @p0 $0x1  }
0x13: {  	[smem:$0x3FB4] =	sst s0;
	s0 =	simm.s32 @!p1 $0x0  }
0x14: {  	s2 =	sld [smem:$0x3F98];
	s0 =	simm.s32 @p1 $0x1  }
0x15: {  	[smem:$0x3FB5] =	sst s0;
	s0 =	simm.s32 @!p2 $0x0  }
0x16: {  	s3 =	sld [smem:$0x3FDB];
	s0 =	simm.s32 @p2 $0x1  }
0x17: {  	s4 =	simm.s32 $0x1BF5;
	[smem:$0x3FB7] =	sst s0  }
0x18: {  	s0 =	sld [smem:$0x3F9A];
	_ =	swait.ge [sflag:s4], $0x0  }
0x19: {  	s7 =	sld [smem:$0x3F9B]  }
0x1a: {  	s8 =	sadd.s32 $0xFFFFE003, lr  }
0x1b: {  	s9 =	sadd.s32 $0xFFFFFEF7, lr;
	s5 =	simm.s32 $0xFFFFFFFF;
	p2 =	slt.u32 s8, $0xFFFFF086  }
0x1c: {  	p1 =	slt.u32 s9, $0xF7A;
	s5 =	simm.s32 @!p2 $0x0  }
0x1d: {  	s5 =	simm.s32 @p1 $0x1;
	p0 =	seq.s32 s7, s2  }
0x1e: {  	s7 =	smul.u32 @!p0 $0xF7A, s2;
	p2 =	seq.s32 @!p0 s5, $0x0  }
0x1f: {  	s9 =	smul.u32 $0xF7A, s1;
	s8 =	simm.s32 @!p0 $0x1BF5;
	p2 =	por !p2, p0  }
0x20: {  	[sflag:s8] =	ssyncset.s32 @!p0 $0xFFFFF086;
	s6 =	sadd.s32 @!p0 s3, s7;
	s7 =	simm.s32 @!p0 $0x108  }
0x21: {  	s3 =	sadd.s32 s3, s9;
	s6 =	sadd.s32 @!p0 $0x88, s6;
	s7 =	simm.s32 @p2 $0x1082  }
0x22: {  	[simem:s7], [sflag:s8] =	dma.local @!p0 [hbm:s6], $0xF7A  }
0x23: {  	s9 =	sor.u32 $0xD0000000, s2;
	s6 =	simm.s32 $0x108;
	_ =	swait.ge @!p0 [sflag:s8], $0x0  }
0x24: {  	s3 =	sadd.s32 $0x88, s3;
	s6 =	simm.s32 @!p1 $0x1082;
	[sflag:s4] =	ssyncset.s32 $0xFFFFF086  }
0x25: {  	[simem:s6], [sflag:s4] =	dma.local [hbm:s3], $0xF7A  }
0x26: {  	[smem:$0x3F9B] =	sst s1;
	(tag) =	ssettag s2;
	_ =	strace s9  }
0x27: {  	s1 =	sld [smem:$0x3FAB]  }
0x28: {  	s2 =	sld [smem:$0x3FAC]  }
0x29: {  	s4 =	sld [smem:$0x3FAE]  }
0x2a: {  	p0 =	seq.s32 s5, $0x0;
	s5 =	sld [smem:$0x3FAF]  }
0x2b: {  	s6 =	sld [smem:$0x3FB0]  }
0x2c: {  	s7 =	sld [smem:$0x3FB1]  }
0x2d: {  	s3 =	simm.s32 $0x108;
	s8 =	sld [smem:$0x3FB2]  }
0x2e: {  	s3 =	simm.s32 @!p0 $0x1082;
	s9 =	sld [smem:$0x3FB3]  }
0x2f: {  	lr =	sadd.s32 s0, s3;
	s0 =	sld [smem:$0x3FAA]  }
0x30: {  	s3 =	sld [smem:$0x3FAD]  }
0x31: {  	[smem:$0x3FB6] =	sst s10  }
0x32: {  	s10 =	sld [smem:$0x3FB4];
	_ =	sdelay $0x3  }
0x33: {  	p0 =	seq.s32 s10, $0x1;
	s10 =	sld [smem:$0x3FB6];
	_ =	sdelay $0x3  }
0x34: {  	[smem:$0x3FB6] =	sst s10  }
0x35: {  	s10 =	sld [smem:$0x3FB5];
	_ =	sdelay $0x3  }
0x36: {  	p1 =	seq.s32 s10, $0x1;
	s10 =	sld [smem:$0x3FB6];
	_ =	sdelay $0x3  }
0x37: {  	[smem:$0x3FB6] =	sst s10  }
0x38: {  	s10 =	sld [smem:$0x3FB7]  }
0x39: {  	_ = 	snop;
	(pc) =	sbr.ind lr, $3  }
0x3a: {  	_ = 	snop  }
0x3b: {  	_ = 	snop  }
0x3c: {  	p2 =	seq.s32 s10, $0x1;
	s10 =	sld [smem:$0x3FB6]  }
0x3d: {  	_ =	shalt  }
0x3e: {  	_ =	shalt  }
0x3f: {  	_ =	shalt  }
0x40: {  	_ =	shalt  }
0x41: {  	_ =	shalt  }
0x42: {  	_ =	shalt  }
0x43: {  	_ =	shalt  }
0x44: {  	_ =	shalt  }
0x45: {  	_ =	shalt  }
0x46: {  	_ =	shalt  }
0x47: {  	_ =	shalt  }
0x48: {  	_ =	shalt  }
0x49: {  	_ =	shalt  }
0x4a: {  	_ =	shalt  }
0x4b: {  	_ =	shalt  }
0x4c: {  	_ =	shalt  }
0x4d: {  	_ =	shalt  }
0x4e: {  	_ =	shalt  }
0x4f: {  	_ =	shalt  }
0x50: {  	_ =	shalt  }
0x51: {  	_ =	shalt  }
0x52: {  	_ =	shalt  }
0x53: {  	_ =	shalt  }
0x54: {  	_ =	shalt  }
0x55: {  	_ =	shalt  }
0x56: {  	_ =	shalt  }
0x57: {  	_ =	shalt  }
0x58: {  	_ =	shalt  }
0x59: {  	_ =	shalt  }
0x5a: {  	_ =	shalt  }
0x5b: {  	_ =	shalt  }
0x5c: {  	_ =	shalt  }
0x5d: {  	_ =	shalt  }
0x5e: {  	_ =	shalt  }
0x5f: {  	_ =	shalt  }
0x60: {  	_ =	shalt  }
0x61: {  	_ =	shalt  }
0x62: {  	_ =	shalt  }
0x63: {  	_ =	shalt  }
0x64: {  	_ =	shalt  }
0x65: {  	_ =	shalt  }
0x66: {  	_ =	shalt  }
0x67: {  	_ =	shalt  }
0x68: {  	_ =	shalt  }
0x69: {  	_ =	shalt  }
0x6a: {  	_ =	shalt  }
0x6b: {  	_ =	shalt  }
0x6c: {  	_ =	shalt  }
0x6d: {  	_ =	shalt  }
0x6e: {  	_ =	shalt  }
0x6f: {  	_ =	shalt  }
0x70: {  	_ =	shalt  }
0x71: {  	_ =	shalt  }
0x72: {  	_ =	shalt  }
0x73: {  	_ =	shalt  }
0x74: {  	_ =	shalt  }
0x75: {  	_ =	shalt  }
0x76: {  	_ =	shalt  }
0x77: {  	_ =	shalt  }
0x78: {  	_ =	shalt  }
0x79: {  	_ =	shalt  }
0x7a: {  	_ =	shalt  }
0x7b: {  	_ =	shalt  }
0x7c: {  	_ =	shalt  }
0x7d: {  	_ =	shalt  }
0x7e: {  	_ =	shalt  }
0x7f: {  	_ =	shalt  }
0x80: {  	_ =	shalt  }
0x81: {  	_ =	shalt  }
0x82: {  	_ =	shalt  }
0x83: {  	_ =	shalt  }
0x84: {  	_ =	shalt  }
0x85: {  	_ =	shalt  }
0x86: {  	_ =	shalt  }
0x87: {  	_ =	shalt  }
.Lfunc_end0:
.L_simem_size_0:
called_computation_lowered:
.L_overlay_start_0:
0x88: {  	s2 =	sld [smem:$0x3FD9]  }
0x89: {  	s3 =	sld [smem:$0x3FFE];
	_ =	sdelay $0x1  }
0x8a: {  	s1 =	srdreg.scid  }
0x8b: {  	s0 =	sand.u32 $0x1, s1  }
0x8c: {  	s17 =	sshll.u32 s0, $0xA;
	s2 =	sadd.s32 s3, s2  }
0x8d: {  	s2 =	sadd.s32 s2, s17  }
0x8e: {  	[smem:$0x3FC2] =	sst s2  }
0x8f: {  	_ = 	snop  }
0x90: {  	s2 =	sld [smem:$0x3FC9]  }
0x91: {  	s18 =	sld [smem:$0x3FD0];
	(tm) =	ssettm $0x1  }
0x92: {  	s4 =	sld [smem:$0x3FFB];
	_ =	sdelay $0x3  }
0x93: {  	_ =	strace s4  }
0x94: {  	s4 =	sld [smem:$0x3FFC];
	_ =	sdelay $0x3  }
0x95: {  	_ =	strace s4  }
0x96: {  	s4 =	sld [smem:$0x3FFD];
	_ =	sdelay $0x3  }
0x97: {  	_ =	strace s4  }
0x98: {  	_ =	strace $0x8FFFFFFF  }
0x99: {  	s19 =	sld [smem:$0x3FDB];
	_ =	sdelay $0x1  }
0x9a: {  	s5 =	simm.s32 $_scs_section_size  }
0x9b: {  	s6 =	simm.s32 $_size__tile_overlayer_lowered;
	s7 =	simm.s32 $_tile_overlayer_lowered  }
0x9c: {  	s22 =	simm.s32 $0x1BFF;
	s21 =	sshll.u32 s7, $0x1;
	s4 =	sadd.s32 s5, s19  }
0x9d: {  	s8 =	simm.s32 $0x0;
	s20 =	sshll.u32 s6, $0x1;
	s6 =	sadd.s32 s21, s4  }
0x9e: {  	[timem:s8], [sflag:s22] =	dma.local [hbm:s6], s20  }
0x9f: {  	_ =	swait.ge [sflag:s22], s20  }
0xa0: {  	s5 =	ssub.s32 $0x0, s20;
	[sflag:s22] =	ssyncset.done $0x0  }
0xa1: {  	[sflag:s22] =	ssyncadd.s32 s5;
	_ =	sdelay $0x1  }
0xa2: {  	s23 =	simm.s32 $0x1B8B  }
0xa3: {  	_ =	swait.ge [sflag:s23], $0x1  }
0xa4: {  	[sflag:s23] =	ssyncset.done $0x0  }
0xa5: {  	s25 =	simm.s32 $0x1B8E;
	s24 =	sld [smem:$0x3FFE];
	[sflag:s23] =	ssyncadd.s32 $0xFFFFFFFF  }
0xa6: {  	s26 =	simm.s32 $execute0_lowered;
	[smem:$0x3FD2] =	sst s25  }
0xa7: {  	s6 =	sshll.u32 s26, $0x1;
	_ =	strace $0x80000046;
	[dreg:$0x1] =	wrdreg $0xFFFFFFFF  }
0xa8: {  	s28 =	simm.s32 $_size_execute0_lowered;
	s4 =	sadd.s32 s4, s6;
	[dreg:$0x0] =	wrdreg $0x0  }
0xa9: {  	s6 =	sshll.u32 s28, $0x1;
	[dreg:$0x2] =	wrdreg s4  }
0xaa: {  	[dreg:$0x3] =	wrdreg s6  }
0xab: {  	[dreg:$0x4] =	wrdreg $0xC0  }
0xac: {  	_ =	task [dreg:s8], $0x5FFFF  }
0xad: {  	[dreg:$0x1] =	wrdreg $0xFFFFFFFF  }
0xae: {  	[dreg:$0x0] =	wrdreg $0x60  }
0xaf: {  	[dreg:$0x2] =	wrdreg s2  }
0xb0: {  	[dreg:$0x3] =	wrdreg s18  }
0xb1: {  	[dreg:$0x4] =	wrdreg s24  }
0xb2: {  	[dreg:$0x5] =	wrdreg $0xA2000  }
0xb3: {  	[dreg:$0x6] =	wrdreg $0x1E2000  }
0xb4: {  	[dreg:$0x7] =	wrdreg $0x9  }
0xb5: {  	_ =	task.clear_ibuf [dreg:s8], $0x8FFFF;
	_ =	strace $0x90000046  }
0xb6: {  	s29 =	simm.s32 $0x9;
	_ =	strace $0x80000048  }
0xb7: {  	_ =	swait.ge [sflag:s29], $0x1  }
0xb8: {  	[sflag:s29] =	ssyncadd.s32 $0xFFFFFFFF  }
0xb9: {  	_ =	strace $0x90000048  }
0xba: {  	_ =	sfence  }
0xbb: {  	s30 =	sld [smem:$0x0];
	_ =	sdelay $0x2  }
0xbc: {  	s31 =	sshll.u32 s1, $0xD;
	s1 =	sshrl.u32 s1, $0x2  }
0xbd: {  	s3 =	sand.u32 $0x4000, s31;
	s1 =	sadd.s32 s1, s30  }
0xbe: {  	s0 =	sor.u32 s3, s0;
	s1 =	sshll.u32 s1, $0x11  }
0xbf: {  	s0 =	sor.u32 s1, s0  }
0xc0: {  	s0 =	sadd.s32 $0x8F2B, s0  }
0xc1: {  	[sflag:s0] =	ssyncadd.remote.s32 $0x1  }
0xc2: {  	_ =	sfence.sel $0xFFFF  }
0xc3: {  	[dreg:$0x0] =	wrdreg $0xFFFFFFFF;
	(pc) =	sbr.abs _section_cstart, $3  }
0xc4: {  	[dreg:$0x1] =	wrdreg $0xFFFFFFFF  }
0xc5: {  	_ =	task.clear_ibuf [dreg:s8], $0x2FFFF;
	_ =	strace $0x9FFFFFFF  }
0xc6: {  	(tm) =	ssettm $0x7FFFFFFF  }
0xc7: {  	_ =	shalt  }
tec
execute0_lowered:
.L_overlay_start_1:
0x0: {  	(tag) =	ssettag $0x1  }
0x1: {  	s1 =	rddreg [dreg:$0x0]  }
0x2: {  	s0 =	rddreg [dreg:$0x1]  }
0x3: {  	s2 =	rddreg [dreg:$0x2]  }
0x4: {  	s3 =	rddreg [dreg:$0x3]  }
0x5: {  	s15 =	stileid.u32;
	s5 =	srdreg.scid  }
0x6: {  	s4 =	rddreg [dreg:$0x4];
	s28 =	simm.s32 $0x3;
	s6 =	smul.u32 $0x2710, s15  }
0x7: {  	s29 =	simm.s32 $0x6;
	s30 =	simm.s32 $0x0;
	s9 =	smul.u32 $0x14000, s15  }
0x8: {  	s7 =	sand.u32 $0x1, s5;
	s5 =	simm.s32 $0x0;
	s10 =	smul.u32 $0x500, s15  }
0x9: {  	s11 =	sadd.s32 $0x2800, s2;
	s14 =	sadd.s32 $0xC800, s2;
	s16 =	smul.u32 $0x50000, s15  }
0xa: {  	s8 =	smul.u32 $0x140000, s7;
	[smem:$0x7FF] =	sst s5;
	s13 =	sshll.u32 s7, $0x7  }
0xb: {  	s26 =	ssub.s32 $0x2, s7;
	p0 =	seq.s32 s7, $0x1;
	_ =	strace $0x80000047  }
0xc: {  	s6 =	sshrl.u32 s6, $0x3;
	s25 =	sor.u32 s13, s10;
	s31 =	sshrl.u32 s26, $0x1  }
0xd: {  	s10 =	smul.u32 $0x280, s15;
	s19 =	sshrl.u32 s16, $0x2;
	s12 =	sadd.s32 s6, s2  }
0xe: {  	s8 =	sadd.s32 s9, s8;
	s9 =	sshrl.u32 s25, $0x3;
	s0 =	sadd.s32 s0, s6  }
0xf: {  	s7 =	sadd.s32 $0xA, s6;
	s17 =	sadd.s32 s11, s6;
	s6 =	sadd.s32 s14, s6  }
0x10: {  	s13 =	sadd.s32 s19, s3;
	s8 =	sshrl.u32 s8, $0x3;
	[dreg:$0x6] =	wrdreg s0  }
0x11: {  	[dreg:$0x7] =	wrdreg s17;
	s18 =	sadd.s32 s11, s7;
	s12 =	sadd.s32 $0x7800, s12  }
0x12: {  	[dreg:$0xa] =	wrdreg s6;
	s0 =	sadd.s32 s14, s7;
	s21 =	sor.u32 $0x40, s10  }
0x13: {  	s24 =	sadd.s32 $0x80, s10;
	s8 =	sadd.s32 s8, s2;
	[dreg:$0x8] =	wrdreg s18  }
0x14: {  	s2 =	sadd.s32 s9, s2;
	s9 =	ssub.s32 s26, s31;
	[dreg:$0x9] =	wrdreg s12  }
0x15: {  	[dreg:$0xb] =	wrdreg s0;
	s23 =	sshll.u32 s21, $0x7;
	s0 =	sadd.s32 s21, s4  }
0x16: {  	s25 =	sshll.u32 s24, $0x7;
	s26 =	sadd.s32 $0xC0, s10;
	s31 =	smul.u32 $0x4E2, s15  }
0x17: {  	s12 =	sadd.s32 $0x140, s10;
	s15 =	sadd.s32 $0x180, s10;
	s18 =	sadd.s32 $0x1C0, s10  }
0x18: {  	s20 =	sadd.s32 $0x12200, s8;
	s2 =	sadd.s32 $0x11800, s2;
	s22 =	smax.u32 s9, $0x1  }
0x19: {  	[dreg:$0x10] =	wrdreg s0;
	s0 =	sadd.s32 s24, s4;
	s8 =	sshll.u32 s26, $0x7  }
0x1a: {  	s9 =	sadd.s32 $0x100, s10;
	s6 =	sadd.s32 s26, s4;
	[dreg:$0xc] =	wrdreg s20  }
0x1b: {  	s16 =	sadd.s32 s12, s4;
	s17 =	sshll.u32 s15, $0x7;
	[dreg:$0xd] =	wrdreg s2  }
0x1c: {  	s19 =	sshll.u32 s18, $0x7;
	s24 =	sadd.s32 $0x240, s10;
	[dreg:$0xe] =	wrdreg s22  }
0x1d: {  	s2 =	sadd.s32 s23, s3;
	[dreg:$0x12] =	wrdreg s0;
	s20 =	sadd.s32 s31, s11  }
0x1e: {  	s21 =	sadd.s32 s31, s14;
	s0 =	sadd.s32 s8, s3;
	[dreg:$0x14] =	wrdreg s6  }
0x1f: {  	s11 =	sshll.u32 s9, $0x7;
	s14 =	sshll.u32 s12, $0x7;
	[dreg:$0x18] =	wrdreg s16  }
0x20: {  	s22 =	sadd.s32 s18, s4;
	s23 =	sadd.s32 $0x200, s10;
	s6 =	sadd.s32 s10, s4  }
0x21: {  	s26 =	sshll.u32 s24, $0x7;
	s31 =	sadd.s32 s24, s4;
	[dreg:$0xf] =	wrdreg s2  }
0x22: {  	s12 =	simm.s32 $0xA180;
	s16 =	simm.s32 $0x50;
	[dreg:$0x13] =	wrdreg s0  }
0x23: {  	s18 =	simm.s32 $0x5100;
	s24 =	simm.s32 $0xA100;
	[dreg:$0x1c] =	wrdreg s22  }
0x24: {  	s2 =	sadd.s32 s25, s3;
	s0 =	sadd.s32 s11, s3;
	[smem:$0x7FD] =	sst s31  }
0x25: {  	s25 =	sshll.u32 s23, $0x7;
	s11 =	simm.s32 $0x2900;
	[dreg:$0x11] =	wrdreg s2  }
0x26: {  	s22 =	simm.s32 $0x7900;
	[dreg:$0x15] =	wrdreg s0;
	s2 =	sadd.s32 s9, s4  }
0x27: {  	s0 =	sadd.s32 s14, s3;
	s7 =	sadd.s32 s25, s3;
	[dreg:$0x16] =	wrdreg s2  }
0x28: {  	s14 =	simm.s32 $0x1;
	s25 =	simm.s32 $0x2;
	[dreg:$0x17] =	wrdreg s0  }
0x29: {  	s2 =	sadd.s32 s17, s3;
	s0 =	sadd.s32 s15, s4;
	[dreg:$0x1d] =	wrdreg s7  }
.Ltmp0:
0x2a: {  	s15 =	simm.s32 $0x2780;
	[dreg:$0x19] =	wrdreg s2;
	(pc) =	sbr.rel .LBB2_1-.Ltmp0, $4  }
0x2b: {  	s17 =	simm.s32 $0x2800;
	[dreg:$0x1a] =	wrdreg s0;
	s0 =	sadd.s32 s19, s3  }
0x2c: {  	s19 =	simm.s32 $0x2880;
	[dreg:$0x1b] =	wrdreg s0;
	s0 =	sadd.s32 s23, s4  }
0x2d: {  	s23 =	simm.s32 $0x4;
	[dreg:$0x1e] =	wrdreg s0;
	s0 =	sadd.s32 s26, s3  }
0x2e: {  	v0 =	vimm.f32 $1.000000000e+00;
	v1 =	vimm.f32 $0.0e+00;
	s26 =	simm.s32 $0x5;
	[dreg:$0x1f] =	wrdreg s0;
	s0 =	simm.s32 $0x7  }
.LBB2_6:
0x2f: {  	s7 =	sadd.s32 $0x14, s2;
	[sflag:s0] =	ssyncadd.s32 $0xFFFFFFB0  }
0x30: {  	[tilespmem:s19], [sflag:$0x6] =	stream.linear.gather [hbm4b:s7+s5], $0x50, $0x38;
	[tilespmem:$0x1E480] =	vst v63  }
0x31: {  	s10 =	sadd.s32 $0xFFFFFF60, s31  }
0x32: {  	[tilespmem:s22], [sflag:$0x3] =	stream.indirect.gather [hbm4b:s1+s16], $0x80, s10, s16, $0xb8;
	[tilespmem:$0x1E480] =	vst v63  }
0x33: {  	_ =	swait.ge [sflag:s14], $0x2800  }
0x34: {  	[sflag:s14] =	ssyncset.done $0x0  }
0x35: {  	[sflag:s14] =	ssyncadd.s32 $0xFFFFD800  }
0x36: {  	_ =	swait.ge [sflag:s23], $0x50  }
0x37: {  	[sflag:s23] =	ssyncset.done $0x0  }
0x38: {  	[sflag:s23] =	ssyncadd.s32 $0xFFFFFFB0  }
0x39: {  	[spmem:s3] =	stream.indirect.scatter.add.f32 [tilespmem:s11], [sflag:$0x7], $0x80, s15, s16, $0xb8;
	[tilespmem:$0x1E480] =	vst v63  }
0x3a: {  	_ =	swait.ge [sflag:s0], $0x2800  }
0x3b: {  	[sflag:s0] =	ssyncset.done $0x0  }
0x3c: {  	[sflag:s0] =	ssyncadd.s32 $0xFFFFD800  }
0x3d: {  	[spmem:s4] =	stream.indirect.scatter.add.f32 [tilespmem:s24], [sflag:$0x7], $0x1, s15, s16, $0xb8;
	[tilespmem:$0x1E480] =	vst v63  }
0x3e: {  	_ =	swait.ge [sflag:s0], $0x50  }
0x3f: {  	[sflag:s0] =	ssyncset.done $0x0  }
0x40: {  	s8 =	sadd.s32 $0x1E, s2;
	[sflag:s0] =	ssyncadd.s32 $0xFFFFFFB0  }
0x41: {  	[tilespmem:s15], [sflag:$0x4] =	stream.linear.gather [hbm4b:s8+s5], $0x50, $0x38;
	[tilespmem:$0x1E480] =	vst v63  }
0x42: {  	s9 =	sadd.s32 $0xFFFFFFB0, s31  }
0x43: {  	[tilespmem:s11], [sflag:$0x1] =	stream.indirect.gather [hbm4b:s1+s16], $0x80, s9, s16, $0xb8;
	[tilespmem:$0x1E480] =	vst v63  }
0x44: {  	_ =	swait.ge [sflag:s25], $0x2800  }
0x45: {  	[sflag:s25] =	ssyncset.done $0x0  }
0x46: {  	[sflag:s25] =	ssyncadd.s32 $0xFFFFD800  }
0x47: {  	_ =	swait.ge [sflag:s26], $0x50  }
0x48: {  	[sflag:s26] =	ssyncset.done $0x0  }
0x49: {  	[sflag:s26] =	ssyncadd.s32 $0xFFFFFFB0  }
0x4a: {  	[spmem:s3] =	stream.indirect.scatter.add.f32 [tilespmem:s18], [sflag:$0x7], $0x80, s17, s16, $0xb8;
	[tilespmem:$0x1E480] =	vst v63  }
0x4b: {  	_ =	swait.ge [sflag:s0], $0x2800  }
0x4c: {  	[sflag:s0] =	ssyncset.done $0x0  }
0x4d: {  	[sflag:s0] =	ssyncadd.s32 $0xFFFFD800  }
0x4e: {  	[spmem:s4] =	stream.indirect.scatter.add.f32 [tilespmem:s24], [sflag:$0x7], $0x1, s17, s16, $0xb8;
	[tilespmem:$0x1E480] =	vst v63  }
0x4f: {  	_ =	swait.ge [sflag:s0], $0x50  }
0x50: {  	[sflag:s0] =	ssyncset.done $0x0  }
0x51: {  	s10 =	sadd.s32 $0x28, s2;
	[sflag:s0] =	ssyncadd.s32 $0xFFFFFFB0  }
0x52: {  	[tilespmem:s17], [sflag:$0x5] =	stream.linear.gather [hbm4b:s10+s5], $0x50, $0x38;
	[tilespmem:$0x1E480] =	vst v63  }
0x53: {  	_ = 	snop  }
0x54: {  	[tilespmem:s18], [sflag:$0x2] =	stream.indirect.gather [hbm4b:s1+s16], $0x80, s31, s16, $0xb8;
	[tilespmem:$0x1E480] =	vst v63  }
0x55: {  	_ =	swait.ge [sflag:s28], $0x2800  }
0x56: {  	[sflag:s28] =	ssyncset.done $0x0  }
0x57: {  	[sflag:s28] =	ssyncadd.s32 $0xFFFFD800  }
0x58: {  	_ =	swait.ge [sflag:s29], $0x50  }
0x59: {  	[sflag:s29] =	ssyncset.done $0x0  }
0x5a: {  	[sflag:s29] =	ssyncadd.s32 $0xFFFFFFB0  }
0x5b: {  	[spmem:s3] =	stream.indirect.scatter.add.f32 [tilespmem:s22], [sflag:$0x7], $0x80, s19, s16, $0xb8;
	[tilespmem:$0x1E480] =	vst v63  }
0x5c: {  	_ =	swait.ge [sflag:s0], $0x2800  }
0x5d: {  	[sflag:s0] =	ssyncset.done $0x0  }
0x5e: {  	[sflag:s0] =	ssyncadd.s32 $0xFFFFD800  }
0x5f: {  	[spmem:s4] =	stream.indirect.scatter.add.f32 [tilespmem:s24], [sflag:$0x7], $0x1, s19, s16, $0xb8;
	[tilespmem:$0x1E480] =	vst v63  }
0x60: {  	_ =	swait.ge [sflag:s0], $0x50  }
0x61: {  	[sflag:s0] =	ssyncset.done $0x0  }
0x62: {  	[sflag:s0] =	ssyncadd.s32 $0xFFFFFFB0  }
.LBB2_10:
0x63: {  	_ =	swait.ge [sflag:s14], $0x2800  }
0x64: {  	[sflag:s14] =	ssyncset.done $0x0  }
0x65: {  	[sflag:s14] =	ssyncadd.s32 $0xFFFFD800  }
0x66: {  	_ =	swait.ge [sflag:s23], $0x50  }
0x67: {  	[sflag:s23] =	ssyncset.done $0x0  }
0x68: {  	[sflag:s23] =	ssyncadd.s32 $0xFFFFFFB0  }
0x69: {  	[spmem:s3] =	stream.indirect.scatter.add.f32 [tilespmem:s11], [sflag:$0x7], $0x80, s15, s16, $0xb8;
	[tilespmem:$0x1E480] =	vst v63  }
0x6a: {  	_ =	swait.ge [sflag:s0], $0x2800  }
0x6b: {  	[sflag:s0] =	ssyncset.done $0x0  }
0x6c: {  	[sflag:s0] =	ssyncadd.s32 $0xFFFFD800  }
0x6d: {  	[spmem:s4] =	stream.indirect.scatter.add.f32 [tilespmem:s24], [sflag:$0x7], $0x1, s15, s16, $0xb8;
	[tilespmem:$0x1E480] =	vst v63  }
0x6e: {  	_ =	swait.ge [sflag:s0], $0x50  }
0x6f: {  	[sflag:s0] =	ssyncset.done $0x0  }
0x70: {  	[sflag:s0] =	ssyncadd.s32 $0xFFFFFFB0  }
0x71: {  	_ =	swait.ge [sflag:s25], $0x2800  }
0x72: {  	[sflag:s25] =	ssyncset.done $0x0  }
0x73: {  	[sflag:s25] =	ssyncadd.s32 $0xFFFFD800  }
0x74: {  	_ =	swait.ge [sflag:s26], $0x50  }
0x75: {  	[sflag:s26] =	ssyncset.done $0x0  }
0x76: {  	[sflag:s26] =	ssyncadd.s32 $0xFFFFFFB0  }
0x77: {  	[spmem:s3] =	stream.indirect.scatter.add.f32 [tilespmem:s18], [sflag:$0x7], $0x80, s17, s16, $0xb8;
	[tilespmem:$0x1E480] =	vst v63  }
0x78: {  	_ =	swait.ge [sflag:s0], $0x2800  }
0x79: {  	[sflag:s0] =	ssyncset.done $0x0  }
0x7a: {  	[sflag:s0] =	ssyncadd.s32 $0xFFFFD800  }
0x7b: {  	[spmem:s4] =	stream.indirect.scatter.add.f32 [tilespmem:s24], [sflag:$0x7], $0x1, s17, s16, $0xb8;
	[tilespmem:$0x1E480] =	vst v63  }
0x7c: {  	_ =	swait.ge [sflag:s0], $0x50  }
0x7d: {  	[sflag:s0] =	ssyncset.done $0x0  }
0x7e: {  	s2 =	stileid.u32;
	[sflag:s0] =	ssyncadd.s32 $0xFFFFFFB0  }
0x7f: {  	s2 =	sshll.u32 s2, $0x6;
	[bflag:$0x0] =	sbarrier.arrive $0xFFFF  }
0x80: {  	s7 =	sshrl.u32 s13, $0x3;
	s2 =	sor.u32 $0x1C07, s2;
	s8 =	rddreg [dreg:$0xc]  }
0x81: {  	[hbm:s8], [sflag:s2] =	dma.local [spmem:s7], $0x2800  }
0x82: {  	_ =	swait.ge [sflag:s0], $0x2800  }
0x83: {  	s9 =	simm.s32 $0x20;
	s10 =	simm.s32 $0x10;
	[sflag:s0] =	ssyncset.done $0x0  }
0x84: {  	s8 =	sshrl.u32 s6, $0x3;
	s31 =	rddreg [dreg:$0xd];
	[sflag:s0] =	ssyncadd.s32 $0xFFFFD800  }
0x85: {  	[hbm:s31@s9], [sflag:s2] =	dma.strided [spmem:s8@s10], $0x50, s14, $0x10   }
0x86: {  	_ =	swait.ge [sflag:s0], $0x50  }
0x87: {  	s30 =	sadd.s32 $0x1, s30;
	s31 =	rddreg [dreg:$0xe]  }
0x88: {  	p1 =	sne.s32 s30, s31  }
.Ltmp1:
0x89: {  	_ = 	snop;
	(pc) =	sbr.rel @!p1 .LBB2_11-.Ltmp1, $3  }
0x8a: {  	_ =	sdelay $0x1  }
0x8b: {  	[sflag:s0] =	ssyncset.done $0x0  }
0x8c: {  	[sflag:s0] =	ssyncadd.s32 $0xFFFFFFB0  }
.LBB2_1:
0x8d: {  	[tilespmem:$0xA100] =	vst v0  }
0x8e: {  	[tilespmem:$0xA180] =	vst v1  }
0x8f: {  	[tilespmem:$0xA110] =	vst v0  }
0x90: {  	[tilespmem:$0xA190] =	vst v1  }
0x91: {  	[tilespmem:$0xA120] =	vst v0  }
0x92: {  	[tilespmem:$0xA1A0] =	vst v1  }
0x93: {  	[tilespmem:$0xA130] =	vst v0  }
0x94: {  	[tilespmem:$0xA1B0] =	vst v1  }
0x95: {  	[tilespmem:$0xA140] =	vst v0  }
0x96: {  	[tilespmem:$0xA1C0] =	vst v1;
	s2 =	simm.s32 $0x0;
	s7 =	simm.s32 $0x200  }
.LBB2_2:
0x97: {  	p1 =	sne.s32 s7, $0x7E00;
	[tilespmem:s2+$0x2970] =	vst v1  }
0x98: {  	[tilespmem:s2+$0x2900] =	vst v1  }
0x99: {  	[tilespmem:s2+$0x2910] =	vst v1  }
.Ltmp2:
0x9a: {  	[tilespmem:s2+$0x2920] =	vst v1;
	(pc) =	sbr.rel @p1 .LBB2_2-.Ltmp2, $4  }
0x9b: {  	[tilespmem:s2+$0x2930] =	vst v1  }
0x9c: {  	[tilespmem:s2+$0x2940] =	vst v1  }
0x9d: {  	[tilespmem:s2+$0x2950] =	vst v1  }
0x9e: {  	[tilespmem:s2+$0x2960] =	vst v1;
	s2 =	sshra.s32 s7, $0x2;
	s7 =	sadd.s32 $0x200, s7  }
0x9f: {  	[tilespmem:s2+$0x2970] =	vst v1  }
0xa0: {  	[tilespmem:s2+$0x2900] =	vst v1  }
0xa1: {  	[tilespmem:s2+$0x2910] =	vst v1  }
0xa2: {  	[tilespmem:s2+$0x2920] =	vst v1  }
0xa3: {  	[tilespmem:s2+$0x2930] =	vst v1  }
0xa4: {  	[tilespmem:s2+$0x2940] =	vst v1  }
0xa5: {  	[tilespmem:s2+$0x2950] =	vst v1  }
0xa6: {  	[tilespmem:s2+$0x2960] =	vst v1  }
0xa7: {  	[spmem:s13] =	stream.linear.scatter [tilespmem:s11], [sflag:$0x7], $0x2000, $0x38;
	[tilespmem:$0x1E480] =	vst v63  }
0xa8: {  	_ =	swait.ge [sflag:s0], $0x2000  }
0xa9: {  	[sflag:s0] =	ssyncset.done $0x0  }
0xaa: {  	[sflag:s0] =	ssyncadd.s32 $0xFFFFE000  }
0xab: {  	[spmem:s6] =	stream.linear.scatter [tilespmem:s12], [sflag:$0x7], $0x40, $0x38;
	[tilespmem:$0x1E480] =	vst v63  }
0xac: {  	_ =	swait.ge [sflag:s0], $0x40  }
0xad: {  	[sflag:s0] =	ssyncset.done $0x0  }
0xae: {  	s9 =	rddreg [dreg:$0xf];
	[sflag:s0] =	ssyncadd.s32 $0xFFFFFFC0  }
0xaf: {  	[spmem:s9] =	stream.linear.scatter [tilespmem:s11], [sflag:$0x7], $0x2000, $0x38;
	[tilespmem:$0x1E480] =	vst v63  }
0xb0: {  	_ =	swait.ge [sflag:s0], $0x2000  }
0xb1: {  	[sflag:s0] =	ssyncset.done $0x0  }
0xb2: {  	s10 =	rddreg [dreg:$0x10];
	[sflag:s0] =	ssyncadd.s32 $0xFFFFE000  }
0xb3: {  	[spmem:s10] =	stream.linear.scatter [tilespmem:s12], [sflag:$0x7], $0x40, $0x38;
	[tilespmem:$0x1E480] =	vst v63  }
0xb4: {  	_ =	swait.ge [sflag:s0], $0x40  }
0xb5: {  	[sflag:s0] =	ssyncset.done $0x0  }
0xb6: {  	s31 =	rddreg [dreg:$0x11];
	[sflag:s0] =	ssyncadd.s32 $0xFFFFFFC0  }
0xb7: {  	[spmem:s31] =	stream.linear.scatter [tilespmem:s11], [sflag:$0x7], $0x2000, $0x38;
	[tilespmem:$0x1E480] =	vst v63  }
0xb8: {  	_ =	swait.ge [sflag:s0], $0x2000  }
0xb9: {  	[sflag:s0] =	ssyncset.done $0x0  }
0xba: {  	s7 =	rddreg [dreg:$0x12];
	[sflag:s0] =	ssyncadd.s32 $0xFFFFE000  }
0xbb: {  	[spmem:s7] =	stream.linear.scatter [tilespmem:s12], [sflag:$0x7], $0x40, $0x38;
	[tilespmem:$0x1E480] =	vst v63  }
0xbc: {  	_ =	swait.ge [sflag:s0], $0x40  }
0xbd: {  	[sflag:s0] =	ssyncset.done $0x0  }
0xbe: {  	s8 =	rddreg [dreg:$0x13];
	[sflag:s0] =	ssyncadd.s32 $0xFFFFFFC0  }
0xbf: {  	[spmem:s8] =	stream.linear.scatter [tilespmem:s11], [sflag:$0x7], $0x2000, $0x38;
	[tilespmem:$0x1E480] =	vst v63  }
0xc0: {  	_ =	swait.ge [sflag:s0], $0x2000  }
0xc1: {  	[sflag:s0] =	ssyncset.done $0x0  }
0xc2: {  	s9 =	rddreg [dreg:$0x14];
	[sflag:s0] =	ssyncadd.s32 $0xFFFFE000  }
0xc3: {  	[spmem:s9] =	stream.linear.scatter [tilespmem:s12], [sflag:$0x7], $0x40, $0x38;
	[tilespmem:$0x1E480] =	vst v63  }
0xc4: {  	_ =	swait.ge [sflag:s0], $0x40  }
0xc5: {  	[sflag:s0] =	ssyncset.done $0x0  }
0xc6: {  	s10 =	rddreg [dreg:$0x15];
	[sflag:s0] =	ssyncadd.s32 $0xFFFFFFC0  }
0xc7: {  	[spmem:s10] =	stream.linear.scatter [tilespmem:s11], [sflag:$0x7], $0x2000, $0x38;
	[tilespmem:$0x1E480] =	vst v63  }
0xc8: {  	_ =	swait.ge [sflag:s0], $0x2000  }
0xc9: {  	[sflag:s0] =	ssyncset.done $0x0  }
0xca: {  	s31 =	rddreg [dreg:$0x16];
	[sflag:s0] =	ssyncadd.s32 $0xFFFFE000  }
0xcb: {  	[spmem:s31] =	stream.linear.scatter [tilespmem:s12], [sflag:$0x7], $0x40, $0x38;
	[tilespmem:$0x1E480] =	vst v63  }
0xcc: {  	_ =	swait.ge [sflag:s0], $0x40  }
0xcd: {  	[sflag:s0] =	ssyncset.done $0x0  }
0xce: {  	s7 =	rddreg [dreg:$0x17];
	[sflag:s0] =	ssyncadd.s32 $0xFFFFFFC0  }
0xcf: {  	[spmem:s7] =	stream.linear.scatter [tilespmem:s11], [sflag:$0x7], $0x2000, $0x38;
	[tilespmem:$0x1E480] =	vst v63  }
0xd0: {  	_ =	swait.ge [sflag:s0], $0x2000  }
0xd1: {  	[sflag:s0] =	ssyncset.done $0x0  }
0xd2: {  	s8 =	rddreg [dreg:$0x18];
	[sflag:s0] =	ssyncadd.s32 $0xFFFFE000  }
0xd3: {  	[spmem:s8] =	stream.linear.scatter [tilespmem:s12], [sflag:$0x7], $0x40, $0x38;
	[tilespmem:$0x1E480] =	vst v63  }
0xd4: {  	_ =	swait.ge [sflag:s0], $0x40  }
0xd5: {  	[sflag:s0] =	ssyncset.done $0x0  }
0xd6: {  	s9 =	rddreg [dreg:$0x19];
	[sflag:s0] =	ssyncadd.s32 $0xFFFFFFC0  }
0xd7: {  	[spmem:s9] =	stream.linear.scatter [tilespmem:s11], [sflag:$0x7], $0x2000, $0x38;
	[tilespmem:$0x1E480] =	vst v63  }
0xd8: {  	_ =	swait.ge [sflag:s0], $0x2000  }
0xd9: {  	[sflag:s0] =	ssyncset.done $0x0  }
0xda: {  	s10 =	rddreg [dreg:$0x1a];
	[sflag:s0] =	ssyncadd.s32 $0xFFFFE000  }
0xdb: {  	[spmem:s10] =	stream.linear.scatter [tilespmem:s12], [sflag:$0x7], $0x40, $0x38;
	[tilespmem:$0x1E480] =	vst v63  }
0xdc: {  	_ =	swait.ge [sflag:s0], $0x40  }
0xdd: {  	[sflag:s0] =	ssyncset.done $0x0  }
0xde: {  	s31 =	rddreg [dreg:$0x1b];
	[sflag:s0] =	ssyncadd.s32 $0xFFFFFFC0  }
0xdf: {  	[spmem:s31] =	stream.linear.scatter [tilespmem:s11], [sflag:$0x7], $0x2000, $0x38;
	[tilespmem:$0x1E480] =	vst v63  }
0xe0: {  	_ =	swait.ge [sflag:s0], $0x2000  }
0xe1: {  	[sflag:s0] =	ssyncset.done $0x0  }
0xe2: {  	s7 =	rddreg [dreg:$0x1c];
	[sflag:s0] =	ssyncadd.s32 $0xFFFFE000  }
0xe3: {  	[spmem:s7] =	stream.linear.scatter [tilespmem:s12], [sflag:$0x7], $0x40, $0x38;
	[tilespmem:$0x1E480] =	vst v63  }
0xe4: {  	_ =	swait.ge [sflag:s0], $0x40  }
0xe5: {  	[sflag:s0] =	ssyncset.done $0x0  }
0xe6: {  	s8 =	rddreg [dreg:$0x1d];
	[sflag:s0] =	ssyncadd.s32 $0xFFFFFFC0  }
0xe7: {  	[spmem:s8] =	stream.linear.scatter [tilespmem:s11], [sflag:$0x7], $0x2000, $0x38;
	[tilespmem:$0x1E480] =	vst v63  }
0xe8: {  	_ =	swait.ge [sflag:s0], $0x2000  }
0xe9: {  	[sflag:s0] =	ssyncset.done $0x0  }
0xea: {  	s9 =	rddreg [dreg:$0x1e];
	[sflag:s0] =	ssyncadd.s32 $0xFFFFE000  }
0xeb: {  	[spmem:s9] =	stream.linear.scatter [tilespmem:s12], [sflag:$0x7], $0x40, $0x38;
	[tilespmem:$0x1E480] =	vst v63  }
0xec: {  	_ =	swait.ge [sflag:s0], $0x40  }
0xed: {  	[sflag:s0] =	ssyncset.done $0x0  }
0xee: {  	s10 =	rddreg [dreg:$0x1f];
	[sflag:s0] =	ssyncadd.s32 $0xFFFFFFC0  }
0xef: {  	[spmem:s10] =	stream.linear.scatter [tilespmem:s11], [sflag:$0x7], $0x2000, $0x38;
	[tilespmem:$0x1E480] =	vst v63  }
0xf0: {  	_ =	swait.ge [sflag:s0], $0x2000  }
0xf1: {  	s31 =	sld [smem:$0x7FD]  }
0xf2: {  	[sflag:s0] =	ssyncset.done $0x0  }
0xf3: {  	[sflag:s0] =	ssyncadd.s32 $0xFFFFE000  }
0xf4: {  	[spmem:s31] =	stream.linear.scatter [tilespmem:s12], [sflag:$0x7], $0x40, $0x38;
	[tilespmem:$0x1E480] =	vst v63  }
.Ltmp3:
0xf5: {  	_ =	swait.ge [sflag:s0], $0x40;
	(pc) =	sbr.rel @!p0 .LBB2_4-.Ltmp3, $4  }
0xf6: {  	[sflag:s0] =	ssyncset.done $0x0  }
0xf7: {  	[sflag:s0] =	ssyncadd.s32 $0xFFFFFFC0  }
0xf8: {  	[bflag:$0x0] =	sbarrier.arrive $0xFFFF  }
0xf9: {  	s2 =	simm.s32 $0x0  }
0xfa: {  	s7 =	rddreg [dreg:$0x9]  }
0xfb: {  	[tilespmem:s2], [sflag:$0x1] =	stream.linear.gather [hbm4b:s7+s2], $0x2710, $0x38;
	[tilespmem:$0x1E480] =	vst v63  }
0xfc: {  	_ =	swait.ge [sflag:s14], $0x2710  }
0xfd: {  	[sflag:s14] =	ssyncset.done $0x0  }
0xfe: {  	s10 =	rddreg [dreg:$0xa];
	[sflag:s14] =	ssyncadd.s32 $0xFFFFD8F0  }
0xff: {  	[tilespmem:s15], [sflag:$0x4] =	stream.linear.gather [hbm4b:s10+s2], $0x50, $0x38;
	[tilespmem:$0x1E480] =	vst v63  }
0x100: {  	_ = 	snop  }
0x101: {  	[tilespmem:s11], [sflag:$0x1] =	stream.indirect.gather [hbm4b:s1+s16], $0x80, s2, s16, $0xb8;
	[tilespmem:$0x1E480] =	vst v63  }
0x102: {  	s8 =	rddreg [dreg:$0xb]  }
0x103: {  	[tilespmem:s17], [sflag:$0x5] =	stream.linear.gather [hbm4b:s8+s2], $0x50, $0x38;
	[tilespmem:$0x1E480] =	vst v63  }
0x104: {  	s2 =	sadd.s32 $0x0, s21  }
0x105: {  	[tilespmem:s18], [sflag:$0x2] =	stream.indirect.gather [hbm4b:s1+s16], $0x80, s16, s16, $0xb8;
	[tilespmem:$0x1E480] =	vst v63  }
0x106: {  	s9 =	sadd.s32 $0x14, s2  }
0x107: {  	[tilespmem:s19], [sflag:$0x6] =	stream.linear.gather [hbm4b:s9+s5], $0x50, $0x38;
	[tilespmem:$0x1E480] =	vst v63  }
0x108: {  	s10 =	simm.s32 $0xA0  }
0x109: {  	[tilespmem:s22], [sflag:$0x3] =	stream.indirect.gather [hbm4b:s1+s16], $0x80, s10, s16, $0xb8;
	[tilespmem:$0x1E480] =	vst v63  }
0x10a: {  	_ =	swait.ge [sflag:s14], $0x2800  }
0x10b: {  	[sflag:s14] =	ssyncset.done $0x0  }
0x10c: {  	[sflag:s14] =	ssyncadd.s32 $0xFFFFD800  }
0x10d: {  	_ =	swait.ge [sflag:s23], $0x50  }
0x10e: {  	[sflag:s23] =	ssyncset.done $0x0  }
0x10f: {  	[sflag:s23] =	ssyncadd.s32 $0xFFFFFFB0  }
0x110: {  	[spmem:s3] =	stream.indirect.scatter.add.f32 [tilespmem:s11], [sflag:$0x7], $0x80, s15, s16, $0xb8;
	[tilespmem:$0x1E480] =	vst v63  }
0x111: {  	_ =	swait.ge [sflag:s0], $0x2800  }
0x112: {  	[sflag:s0] =	ssyncset.done $0x0  }
0x113: {  	[sflag:s0] =	ssyncadd.s32 $0xFFFFD800  }
0x114: {  	[spmem:s4] =	stream.indirect.scatter.add.f32 [tilespmem:s24], [sflag:$0x7], $0x1, s15, s16, $0xb8;
	[tilespmem:$0x1E480] =	vst v63  }
0x115: {  	_ =	swait.ge [sflag:s0], $0x50  }
0x116: {  	[sflag:s0] =	ssyncset.done $0x0  }
0x117: {  	s8 =	sadd.s32 $0x1E, s2;
	[sflag:s0] =	ssyncadd.s32 $0xFFFFFFB0  }
0x118: {  	[tilespmem:s15], [sflag:$0x4] =	stream.linear.gather [hbm4b:s8+s5], $0x50, $0x38;
	[tilespmem:$0x1E480] =	vst v63  }
0x119: {  	s9 =	simm.s32 $0xF0  }
0x11a: {  	[tilespmem:s11], [sflag:$0x1] =	stream.indirect.gather [hbm4b:s1+s16], $0x80, s9, s16, $0xb8;
	[tilespmem:$0x1E480] =	vst v63  }
0x11b: {  	_ =	swait.ge [sflag:s25], $0x2800  }
0x11c: {  	[sflag:s25] =	ssyncset.done $0x0  }
0x11d: {  	[sflag:s25] =	ssyncadd.s32 $0xFFFFD800  }
0x11e: {  	_ =	swait.ge [sflag:s26], $0x50  }
0x11f: {  	[sflag:s26] =	ssyncset.done $0x0  }
0x120: {  	[sflag:s26] =	ssyncadd.s32 $0xFFFFFFB0  }
0x121: {  	[spmem:s3] =	stream.indirect.scatter.add.f32 [tilespmem:s18], [sflag:$0x7], $0x80, s17, s16, $0xb8;
	[tilespmem:$0x1E480] =	vst v63  }
0x122: {  	_ =	swait.ge [sflag:s0], $0x2800  }
0x123: {  	[sflag:s0] =	ssyncset.done $0x0  }
0x124: {  	[sflag:s0] =	ssyncadd.s32 $0xFFFFD800  }
0x125: {  	[spmem:s4] =	stream.indirect.scatter.add.f32 [tilespmem:s24], [sflag:$0x7], $0x1, s17, s16, $0xb8;
	[tilespmem:$0x1E480] =	vst v63  }
0x126: {  	_ =	swait.ge [sflag:s0], $0x50  }
0x127: {  	[sflag:s0] =	ssyncset.done $0x0  }
0x128: {  	s2 =	sadd.s32 $0x28, s2;
	[sflag:s0] =	ssyncadd.s32 $0xFFFFFFB0  }
0x129: {  	[tilespmem:s17], [sflag:$0x5] =	stream.linear.gather [hbm4b:s2+s5], $0x50, $0x38;
	[tilespmem:$0x1E480] =	vst v63  }
0x12a: {  	s10 =	simm.s32 $0x140  }
0x12b: {  	[tilespmem:s18], [sflag:$0x2] =	stream.indirect.gather [hbm4b:s1+s16], $0x80, s10, s16, $0xb8;
	[tilespmem:$0x1E480] =	vst v63  }
0x12c: {  	_ =	swait.ge [sflag:s28], $0x2800  }
0x12d: {  	[sflag:s28] =	ssyncset.done $0x0  }
0x12e: {  	[sflag:s28] =	ssyncadd.s32 $0xFFFFD800  }
0x12f: {  	_ =	swait.ge [sflag:s29], $0x50  }
0x130: {  	[sflag:s29] =	ssyncset.done $0x0  }
0x131: {  	[sflag:s29] =	ssyncadd.s32 $0xFFFFFFB0  }
0x132: {  	[spmem:s3] =	stream.indirect.scatter.add.f32 [tilespmem:s22], [sflag:$0x7], $0x80, s19, s16, $0xb8;
	[tilespmem:$0x1E480] =	vst v63  }
0x133: {  	_ =	swait.ge [sflag:s0], $0x2800  }
0x134: {  	[sflag:s0] =	ssyncset.done $0x0  }
0x135: {  	[sflag:s0] =	ssyncadd.s32 $0xFFFFD800  }
0x136: {  	[spmem:s4] =	stream.indirect.scatter.add.f32 [tilespmem:s24], [sflag:$0x7], $0x1, s19, s16, $0xb8;
	[tilespmem:$0x1E480] =	vst v63  }
0x137: {  	s31 =	simm.s32 $0x230;
	_ =	swait.ge [sflag:s0], $0x50  }
0x138: {  	s9 =	simm.s32 $0x3C;
	s2 =	sadd.s32 $0x1E, s21;
	[sflag:s0] =	ssyncset.done $0x0  }
.LBB2_8:
0x139: {  	s10 =	sadd.s32 $0x14, s2  }
0x13a: {  	[sflag:s0] =	ssyncadd.s32 $0xFFFFFFB0;
	s8 =	smov.u32 s9;
	s7 =	sadd.s32 $0x1E, s9  }
0x13b: {  	[tilespmem:s19], [sflag:$0x6] =	stream.linear.gather [hbm4b:s10+s5], $0x50, $0x38;
	[tilespmem:$0x1E480] =	vst v63  }
0x13c: {  	p1 =	sne.s32 s9, $0x4B0;
	s9 =	sadd.s32 $0xFFFFFF60, s31  }
0x13d: {  	[tilespmem:s22], [sflag:$0x3] =	stream.indirect.gather [hbm4b:s1+s16], $0x80, s9, s16, $0xb8;
	[tilespmem:$0x1E480] =	vst v63  }
0x13e: {  	_ =	swait.ge [sflag:s14], $0x2800  }
0x13f: {  	[sflag:s14] =	ssyncset.done $0x0  }
0x140: {  	[sflag:s14] =	ssyncadd.s32 $0xFFFFD800  }
0x141: {  	_ =	swait.ge [sflag:s23], $0x50  }
0x142: {  	[sflag:s23] =	ssyncset.done $0x0  }
0x143: {  	[sflag:s23] =	ssyncadd.s32 $0xFFFFFFB0  }
0x144: {  	[spmem:s3] =	stream.indirect.scatter.add.f32 [tilespmem:s11], [sflag:$0x7], $0x80, s15, s16, $0xb8;
	[tilespmem:$0x1E480] =	vst v63  }
0x145: {  	_ =	swait.ge [sflag:s0], $0x2800  }
0x146: {  	[sflag:s0] =	ssyncset.done $0x0  }
0x147: {  	[sflag:s0] =	ssyncadd.s32 $0xFFFFD800  }
0x148: {  	[spmem:s4] =	stream.indirect.scatter.add.f32 [tilespmem:s24], [sflag:$0x7], $0x1, s15, s16, $0xb8;
	[tilespmem:$0x1E480] =	vst v63  }
0x149: {  	_ =	swait.ge [sflag:s0], $0x50  }
0x14a: {  	[sflag:s0] =	ssyncset.done $0x0  }
0x14b: {  	s9 =	sadd.s32 $0x1E, s2;
	[sflag:s0] =	ssyncadd.s32 $0xFFFFFFB0  }
0x14c: {  	[tilespmem:s15], [sflag:$0x4] =	stream.linear.gather [hbm4b:s9+s5], $0x50, $0x38;
	[tilespmem:$0x1E480] =	vst v63  }
0x14d: {  	s9 =	sadd.s32 $0xFFFFFFB0, s31  }
0x14e: {  	[tilespmem:s11], [sflag:$0x1] =	stream.indirect.gather [hbm4b:s1+s16], $0x80, s9, s16, $0xb8;
	[tilespmem:$0x1E480] =	vst v63  }
0x14f: {  	_ =	swait.ge [sflag:s25], $0x2800  }
0x150: {  	[sflag:s25] =	ssyncset.done $0x0  }
0x151: {  	[sflag:s25] =	ssyncadd.s32 $0xFFFFD800  }
0x152: {  	_ =	swait.ge [sflag:s26], $0x50  }
0x153: {  	[sflag:s26] =	ssyncset.done $0x0  }
0x154: {  	[sflag:s26] =	ssyncadd.s32 $0xFFFFFFB0  }
0x155: {  	[spmem:s3] =	stream.indirect.scatter.add.f32 [tilespmem:s18], [sflag:$0x7], $0x80, s17, s16, $0xb8;
	[tilespmem:$0x1E480] =	vst v63  }
0x156: {  	_ =	swait.ge [sflag:s0], $0x2800  }
0x157: {  	[sflag:s0] =	ssyncset.done $0x0  }
0x158: {  	[sflag:s0] =	ssyncadd.s32 $0xFFFFD800  }
0x159: {  	[spmem:s4] =	stream.indirect.scatter.add.f32 [tilespmem:s24], [sflag:$0x7], $0x1, s17, s16, $0xb8;
	[tilespmem:$0x1E480] =	vst v63  }
0x15a: {  	_ =	swait.ge [sflag:s0], $0x50  }
0x15b: {  	[sflag:s0] =	ssyncset.done $0x0  }
0x15c: {  	s2 =	sadd.s32 $0x28, s2;
	[sflag:s0] =	ssyncadd.s32 $0xFFFFFFB0  }
0x15d: {  	[tilespmem:s17], [sflag:$0x5] =	stream.linear.gather [hbm4b:s2+s5], $0x50, $0x38;
	[tilespmem:$0x1E480] =	vst v63  }
0x15e: {  	_ = 	snop  }
0x15f: {  	[tilespmem:s18], [sflag:$0x2] =	stream.indirect.gather [hbm4b:s1+s16], $0x80, s31, s16, $0xb8;
	[tilespmem:$0x1E480] =	vst v63  }
0x160: {  	_ =	swait.ge [sflag:s28], $0x2800  }
0x161: {  	[sflag:s28] =	ssyncset.done $0x0  }
0x162: {  	[sflag:s28] =	ssyncadd.s32 $0xFFFFD800  }
0x163: {  	_ =	swait.ge [sflag:s29], $0x50  }
0x164: {  	[sflag:s29] =	ssyncset.done $0x0  }
0x165: {  	[sflag:s29] =	ssyncadd.s32 $0xFFFFFFB0  }
0x166: {  	[spmem:s3] =	stream.indirect.scatter.add.f32 [tilespmem:s22], [sflag:$0x7], $0x80, s19, s16, $0xb8;
	[tilespmem:$0x1E480] =	vst v63  }
0x167: {  	_ =	swait.ge [sflag:s0], $0x2800  }
.Ltmp4:
0x168: {  	[sflag:s0] =	ssyncset.done $0x0;
	(pc) =	sbr.rel @p1 .LBB2_8-.Ltmp4, $4  }
0x169: {  	[sflag:s0] =	ssyncadd.s32 $0xFFFFD800  }
0x16a: {  	[spmem:s4] =	stream.indirect.scatter.add.f32 [tilespmem:s24], [sflag:$0x7], $0x1, s19, s16, $0xb8;
	[tilespmem:$0x1E480] =	vst v63  }
0x16b: {  	s9 =	smov.u32 s7;
	_ =	swait.ge [sflag:s0], $0x50  }
0x16c: {  	s2 =	sadd.s32 s8, s21;
	s31 =	sadd.s32 $0xF0, s31;
	[sflag:s0] =	ssyncset.done $0x0  }
0x16d: {  	s7 =	sadd.s32 $0x14, s2;
	[sflag:s0] =	ssyncadd.s32 $0xFFFFFFB0  }
0x16e: {  	[tilespmem:s19], [sflag:$0x6] =	stream.linear.gather [hbm4b:s7+s5], $0x50, $0x38;
	[tilespmem:$0x1E480] =	vst v63  }
0x16f: {  	s10 =	sadd.s32 $0xFFFFFF60, s31  }
0x170: {  	[tilespmem:s22], [sflag:$0x3] =	stream.indirect.gather [hbm4b:s1+s16], $0x80, s10, s16, $0xb8;
	[tilespmem:$0x1E480] =	vst v63  }
0x171: {  	_ =	swait.ge [sflag:s14], $0x2800  }
0x172: {  	[sflag:s14] =	ssyncset.done $0x0  }
0x173: {  	[sflag:s14] =	ssyncadd.s32 $0xFFFFD800  }
0x174: {  	_ =	swait.ge [sflag:s23], $0x50  }
0x175: {  	[sflag:s23] =	ssyncset.done $0x0  }
0x176: {  	[sflag:s23] =	ssyncadd.s32 $0xFFFFFFB0  }
0x177: {  	[spmem:s3] =	stream.indirect.scatter.add.f32 [tilespmem:s11], [sflag:$0x7], $0x80, s15, s16, $0xb8;
	[tilespmem:$0x1E480] =	vst v63  }
0x178: {  	_ =	swait.ge [sflag:s0], $0x2800  }
0x179: {  	[sflag:s0] =	ssyncset.done $0x0  }
0x17a: {  	[sflag:s0] =	ssyncadd.s32 $0xFFFFD800  }
0x17b: {  	[spmem:s4] =	stream.indirect.scatter.add.f32 [tilespmem:s24], [sflag:$0x7], $0x1, s15, s16, $0xb8;
	[tilespmem:$0x1E480] =	vst v63  }
0x17c: {  	_ =	swait.ge [sflag:s0], $0x50  }
0x17d: {  	[sflag:s0] =	ssyncset.done $0x0  }
0x17e: {  	s8 =	sadd.s32 $0x1E, s2;
	[sflag:s0] =	ssyncadd.s32 $0xFFFFFFB0  }
0x17f: {  	[tilespmem:s15], [sflag:$0x4] =	stream.linear.gather [hbm4b:s8+s5], $0x50, $0x38;
	[tilespmem:$0x1E480] =	vst v63  }
0x180: {  	s9 =	sadd.s32 $0xFFFFFFB0, s31  }
0x181: {  	[tilespmem:s11], [sflag:$0x1] =	stream.indirect.gather [hbm4b:s1+s16], $0x80, s9, s16, $0xb8;
	[tilespmem:$0x1E480] =	vst v63  }
0x182: {  	_ =	swait.ge [sflag:s25], $0x2800  }
0x183: {  	[sflag:s25] =	ssyncset.done $0x0  }
0x184: {  	[sflag:s25] =	ssyncadd.s32 $0xFFFFD800  }
0x185: {  	_ =	swait.ge [sflag:s26], $0x50  }
0x186: {  	[sflag:s26] =	ssyncset.done $0x0  }
0x187: {  	[sflag:s26] =	ssyncadd.s32 $0xFFFFFFB0  }
0x188: {  	[spmem:s3] =	stream.indirect.scatter.add.f32 [tilespmem:s18], [sflag:$0x7], $0x80, s17, s16, $0xb8;
	[tilespmem:$0x1E480] =	vst v63  }
0x189: {  	_ =	swait.ge [sflag:s0], $0x2800  }
0x18a: {  	[sflag:s0] =	ssyncset.done $0x0  }
0x18b: {  	[sflag:s0] =	ssyncadd.s32 $0xFFFFD800  }
0x18c: {  	[spmem:s4] =	stream.indirect.scatter.add.f32 [tilespmem:s24], [sflag:$0x7], $0x1, s17, s16, $0xb8;
	[tilespmem:$0x1E480] =	vst v63  }
0x18d: {  	_ =	swait.ge [sflag:s0], $0x50  }
0x18e: {  	[sflag:s0] =	ssyncset.done $0x0  }
0x18f: {  	s10 =	sadd.s32 $0x28, s2;
	[sflag:s0] =	ssyncadd.s32 $0xFFFFFFB0  }
0x190: {  	[tilespmem:s17], [sflag:$0x5] =	stream.linear.gather [hbm4b:s10+s5], $0x50, $0x38;
	[tilespmem:$0x1E480] =	vst v63  }
0x191: {  	_ = 	snop  }
0x192: {  	[tilespmem:s18], [sflag:$0x2] =	stream.indirect.gather [hbm4b:s1+s16], $0x80, s31, s16, $0xb8;
	[tilespmem:$0x1E480] =	vst v63  }
0x193: {  	_ =	swait.ge [sflag:s28], $0x2800  }
0x194: {  	[sflag:s28] =	ssyncset.done $0x0  }
0x195: {  	[sflag:s28] =	ssyncadd.s32 $0xFFFFD800  }
0x196: {  	_ =	swait.ge [sflag:s29], $0x50  }
0x197: {  	[sflag:s29] =	ssyncset.done $0x0  }
0x198: {  	[sflag:s29] =	ssyncadd.s32 $0xFFFFFFB0  }
0x199: {  	[spmem:s3] =	stream.indirect.scatter.add.f32 [tilespmem:s22], [sflag:$0x7], $0x80, s19, s16, $0xb8;
	[tilespmem:$0x1E480] =	vst v63  }
0x19a: {  	_ =	swait.ge [sflag:s0], $0x2800  }
0x19b: {  	[sflag:s0] =	ssyncset.done $0x0  }
.Ltmp5:
0x19c: {  	[sflag:s0] =	ssyncadd.s32 $0xFFFFD800;
	(pc) =	sbr.rel .LBB2_10-.Ltmp5, $4  }
0x19d: {  	[spmem:s4] =	stream.indirect.scatter.add.f32 [tilespmem:s24], [sflag:$0x7], $0x1, s19, s16, $0xb8;
	[tilespmem:$0x1E480] =	vst v63  }
0x19e: {  	_ =	swait.ge [sflag:s0], $0x50  }
0x19f: {  	[sflag:s0] =	ssyncset.done $0x0  }
0x1a0: {  	[sflag:s0] =	ssyncadd.s32 $0xFFFFFFB0  }
.LBB2_4:
0x1a1: {  	s7 =	rddreg [dreg:$0x6]  }
0x1a2: {  	[tilespmem:s2], [sflag:$0x1] =	stream.linear.gather [hbm4b:s7+s2], $0x2710, $0x38;
	[tilespmem:$0x1E480] =	vst v63  }
0x1a3: {  	_ =	swait.ge [sflag:s14], $0x2710  }
0x1a4: {  	[sflag:s14] =	ssyncset.done $0x0  }
0x1a5: {  	s10 =	rddreg [dreg:$0x7];
	[sflag:s14] =	ssyncadd.s32 $0xFFFFD8F0  }
0x1a6: {  	[tilespmem:s15], [sflag:$0x4] =	stream.linear.gather [hbm4b:s10+s2], $0x50, $0x38;
	[tilespmem:$0x1E480] =	vst v63  }
0x1a7: {  	_ = 	snop  }
0x1a8: {  	[tilespmem:s11], [sflag:$0x1] =	stream.indirect.gather [hbm4b:s1+s16], $0x80, s2, s16, $0xb8;
	[tilespmem:$0x1E480] =	vst v63  }
0x1a9: {  	s8 =	rddreg [dreg:$0x8]  }
0x1aa: {  	[tilespmem:s17], [sflag:$0x5] =	stream.linear.gather [hbm4b:s8+s2], $0x50, $0x38;
	[tilespmem:$0x1E480] =	vst v63  }
0x1ab: {  	s2 =	sadd.s32 $0x0, s20  }
0x1ac: {  	[tilespmem:s18], [sflag:$0x2] =	stream.indirect.gather [hbm4b:s1+s16], $0x80, s16, s16, $0xb8;
	[tilespmem:$0x1E480] =	vst v63  }
0x1ad: {  	s9 =	sadd.s32 $0x14, s2  }
0x1ae: {  	[tilespmem:s19], [sflag:$0x6] =	stream.linear.gather [hbm4b:s9+s5], $0x50, $0x38;
	[tilespmem:$0x1E480] =	vst v63  }
0x1af: {  	s10 =	simm.s32 $0xA0  }
0x1b0: {  	[tilespmem:s22], [sflag:$0x3] =	stream.indirect.gather [hbm4b:s1+s16], $0x80, s10, s16, $0xb8;
	[tilespmem:$0x1E480] =	vst v63  }
0x1b1: {  	_ =	swait.ge [sflag:s14], $0x2800  }
0x1b2: {  	[sflag:s14] =	ssyncset.done $0x0  }
0x1b3: {  	[sflag:s14] =	ssyncadd.s32 $0xFFFFD800  }
0x1b4: {  	_ =	swait.ge [sflag:s23], $0x50  }
0x1b5: {  	[sflag:s23] =	ssyncset.done $0x0  }
0x1b6: {  	[sflag:s23] =	ssyncadd.s32 $0xFFFFFFB0  }
0x1b7: {  	[spmem:s3] =	stream.indirect.scatter.add.f32 [tilespmem:s11], [sflag:$0x7], $0x80, s15, s16, $0xb8;
	[tilespmem:$0x1E480] =	vst v63  }
0x1b8: {  	_ =	swait.ge [sflag:s0], $0x2800  }
0x1b9: {  	[sflag:s0] =	ssyncset.done $0x0  }
0x1ba: {  	[sflag:s0] =	ssyncadd.s32 $0xFFFFD800  }
0x1bb: {  	[spmem:s4] =	stream.indirect.scatter.add.f32 [tilespmem:s24], [sflag:$0x7], $0x1, s15, s16, $0xb8;
	[tilespmem:$0x1E480] =	vst v63  }
0x1bc: {  	_ =	swait.ge [sflag:s0], $0x50  }
0x1bd: {  	[sflag:s0] =	ssyncset.done $0x0  }
0x1be: {  	s8 =	sadd.s32 $0x1E, s2;
	[sflag:s0] =	ssyncadd.s32 $0xFFFFFFB0  }
0x1bf: {  	[tilespmem:s15], [sflag:$0x4] =	stream.linear.gather [hbm4b:s8+s5], $0x50, $0x38;
	[tilespmem:$0x1E480] =	vst v63  }
0x1c0: {  	s9 =	simm.s32 $0xF0  }
0x1c1: {  	[tilespmem:s11], [sflag:$0x1] =	stream.indirect.gather [hbm4b:s1+s16], $0x80, s9, s16, $0xb8;
	[tilespmem:$0x1E480] =	vst v63  }
0x1c2: {  	_ =	swait.ge [sflag:s25], $0x2800  }
0x1c3: {  	[sflag:s25] =	ssyncset.done $0x0  }
0x1c4: {  	[sflag:s25] =	ssyncadd.s32 $0xFFFFD800  }
0x1c5: {  	_ =	swait.ge [sflag:s26], $0x50  }
0x1c6: {  	[sflag:s26] =	ssyncset.done $0x0  }
0x1c7: {  	[sflag:s26] =	ssyncadd.s32 $0xFFFFFFB0  }
0x1c8: {  	[spmem:s3] =	stream.indirect.scatter.add.f32 [tilespmem:s18], [sflag:$0x7], $0x80, s17, s16, $0xb8;
	[tilespmem:$0x1E480] =	vst v63  }
0x1c9: {  	_ =	swait.ge [sflag:s0], $0x2800  }
0x1ca: {  	[sflag:s0] =	ssyncset.done $0x0  }
0x1cb: {  	[sflag:s0] =	ssyncadd.s32 $0xFFFFD800  }
0x1cc: {  	[spmem:s4] =	stream.indirect.scatter.add.f32 [tilespmem:s24], [sflag:$0x7], $0x1, s17, s16, $0xb8;
	[tilespmem:$0x1E480] =	vst v63  }
0x1cd: {  	_ =	swait.ge [sflag:s0], $0x50  }
0x1ce: {  	[sflag:s0] =	ssyncset.done $0x0  }
0x1cf: {  	s2 =	sadd.s32 $0x28, s2;
	[sflag:s0] =	ssyncadd.s32 $0xFFFFFFB0  }
0x1d0: {  	[tilespmem:s17], [sflag:$0x5] =	stream.linear.gather [hbm4b:s2+s5], $0x50, $0x38;
	[tilespmem:$0x1E480] =	vst v63  }
0x1d1: {  	s10 =	simm.s32 $0x140  }
0x1d2: {  	[tilespmem:s18], [sflag:$0x2] =	stream.indirect.gather [hbm4b:s1+s16], $0x80, s10, s16, $0xb8;
	[tilespmem:$0x1E480] =	vst v63  }
0x1d3: {  	_ =	swait.ge [sflag:s28], $0x2800  }
0x1d4: {  	[sflag:s28] =	ssyncset.done $0x0  }
0x1d5: {  	[sflag:s28] =	ssyncadd.s32 $0xFFFFD800  }
0x1d6: {  	_ =	swait.ge [sflag:s29], $0x50  }
0x1d7: {  	[sflag:s29] =	ssyncset.done $0x0  }
0x1d8: {  	[sflag:s29] =	ssyncadd.s32 $0xFFFFFFB0  }
0x1d9: {  	[spmem:s3] =	stream.indirect.scatter.add.f32 [tilespmem:s22], [sflag:$0x7], $0x80, s19, s16, $0xb8;
	[tilespmem:$0x1E480] =	vst v63  }
0x1da: {  	_ =	swait.ge [sflag:s0], $0x2800  }
0x1db: {  	[sflag:s0] =	ssyncset.done $0x0  }
0x1dc: {  	[sflag:s0] =	ssyncadd.s32 $0xFFFFD800  }
0x1dd: {  	[spmem:s4] =	stream.indirect.scatter.add.f32 [tilespmem:s24], [sflag:$0x7], $0x1, s19, s16, $0xb8;
	[tilespmem:$0x1E480] =	vst v63  }
0x1de: {  	s31 =	simm.s32 $0x230;
	_ =	swait.ge [sflag:s0], $0x50  }
0x1df: {  	s7 =	simm.s32 $0x3C;
	s2 =	sadd.s32 $0x1E, s20;
	[sflag:s0] =	ssyncset.done $0x0  }
.LBB2_5:
0x1e0: {  	s10 =	sadd.s32 $0x14, s2  }
0x1e1: {  	[sflag:s0] =	ssyncadd.s32 $0xFFFFFFB0;
	s8 =	smov.u32 s7;
	s9 =	sadd.s32 $0x1E, s7  }
0x1e2: {  	[tilespmem:s19], [sflag:$0x6] =	stream.linear.gather [hbm4b:s10+s5], $0x50, $0x38;
	[tilespmem:$0x1E480] =	vst v63  }
0x1e3: {  	p1 =	seq.s32 s7, $0x4B0;
	s7 =	sadd.s32 $0xFFFFFF60, s31  }
0x1e4: {  	[tilespmem:s22], [sflag:$0x3] =	stream.indirect.gather [hbm4b:s1+s16], $0x80, s7, s16, $0xb8;
	[tilespmem:$0x1E480] =	vst v63  }
0x1e5: {  	_ =	swait.ge [sflag:s14], $0x2800  }
0x1e6: {  	[sflag:s14] =	ssyncset.done $0x0  }
0x1e7: {  	[sflag:s14] =	ssyncadd.s32 $0xFFFFD800  }
0x1e8: {  	_ =	swait.ge [sflag:s23], $0x50  }
0x1e9: {  	[sflag:s23] =	ssyncset.done $0x0  }
0x1ea: {  	[sflag:s23] =	ssyncadd.s32 $0xFFFFFFB0  }
0x1eb: {  	[spmem:s3] =	stream.indirect.scatter.add.f32 [tilespmem:s11], [sflag:$0x7], $0x80, s15, s16, $0xb8;
	[tilespmem:$0x1E480] =	vst v63  }
0x1ec: {  	_ =	swait.ge [sflag:s0], $0x2800  }
0x1ed: {  	[sflag:s0] =	ssyncset.done $0x0  }
0x1ee: {  	[sflag:s0] =	ssyncadd.s32 $0xFFFFD800  }
0x1ef: {  	[spmem:s4] =	stream.indirect.scatter.add.f32 [tilespmem:s24], [sflag:$0x7], $0x1, s15, s16, $0xb8;
	[tilespmem:$0x1E480] =	vst v63  }
0x1f0: {  	_ =	swait.ge [sflag:s0], $0x50  }
0x1f1: {  	[sflag:s0] =	ssyncset.done $0x0  }
0x1f2: {  	s7 =	sadd.s32 $0x1E, s2;
	[sflag:s0] =	ssyncadd.s32 $0xFFFFFFB0  }
0x1f3: {  	[tilespmem:s15], [sflag:$0x4] =	stream.linear.gather [hbm4b:s7+s5], $0x50, $0x38;
	[tilespmem:$0x1E480] =	vst v63  }
0x1f4: {  	s7 =	sadd.s32 $0xFFFFFFB0, s31  }
0x1f5: {  	[tilespmem:s11], [sflag:$0x1] =	stream.indirect.gather [hbm4b:s1+s16], $0x80, s7, s16, $0xb8;
	[tilespmem:$0x1E480] =	vst v63  }
0x1f6: {  	_ =	swait.ge [sflag:s25], $0x2800  }
0x1f7: {  	[sflag:s25] =	ssyncset.done $0x0  }
0x1f8: {  	[sflag:s25] =	ssyncadd.s32 $0xFFFFD800  }
0x1f9: {  	_ =	swait.ge [sflag:s26], $0x50  }
0x1fa: {  	[sflag:s26] =	ssyncset.done $0x0  }
0x1fb: {  	[sflag:s26] =	ssyncadd.s32 $0xFFFFFFB0  }
0x1fc: {  	[spmem:s3] =	stream.indirect.scatter.add.f32 [tilespmem:s18], [sflag:$0x7], $0x80, s17, s16, $0xb8;
	[tilespmem:$0x1E480] =	vst v63  }
0x1fd: {  	_ =	swait.ge [sflag:s0], $0x2800  }
0x1fe: {  	[sflag:s0] =	ssyncset.done $0x0  }
0x1ff: {  	[sflag:s0] =	ssyncadd.s32 $0xFFFFD800  }
0x200: {  	[spmem:s4] =	stream.indirect.scatter.add.f32 [tilespmem:s24], [sflag:$0x7], $0x1, s17, s16, $0xb8;
	[tilespmem:$0x1E480] =	vst v63  }
0x201: {  	_ =	swait.ge [sflag:s0], $0x50  }
0x202: {  	[sflag:s0] =	ssyncset.done $0x0  }
0x203: {  	s2 =	sadd.s32 $0x28, s2;
	[sflag:s0] =	ssyncadd.s32 $0xFFFFFFB0  }
0x204: {  	[tilespmem:s17], [sflag:$0x5] =	stream.linear.gather [hbm4b:s2+s5], $0x50, $0x38;
	[tilespmem:$0x1E480] =	vst v63  }
0x205: {  	_ = 	snop  }
0x206: {  	[tilespmem:s18], [sflag:$0x2] =	stream.indirect.gather [hbm4b:s1+s16], $0x80, s31, s16, $0xb8;
	[tilespmem:$0x1E480] =	vst v63  }
0x207: {  	_ =	swait.ge [sflag:s28], $0x2800  }
0x208: {  	[sflag:s28] =	ssyncset.done $0x0  }
0x209: {  	[sflag:s28] =	ssyncadd.s32 $0xFFFFD800  }
0x20a: {  	_ =	swait.ge [sflag:s29], $0x50  }
0x20b: {  	[sflag:s29] =	ssyncset.done $0x0  }
0x20c: {  	[sflag:s29] =	ssyncadd.s32 $0xFFFFFFB0  }
0x20d: {  	[spmem:s3] =	stream.indirect.scatter.add.f32 [tilespmem:s22], [sflag:$0x7], $0x80, s19, s16, $0xb8;
	[tilespmem:$0x1E480] =	vst v63  }
0x20e: {  	_ =	swait.ge [sflag:s0], $0x2800  }
.Ltmp6:
0x20f: {  	[sflag:s0] =	ssyncset.done $0x0;
	(pc) =	sbr.rel @!p1 .LBB2_5-.Ltmp6, $4  }
0x210: {  	[sflag:s0] =	ssyncadd.s32 $0xFFFFD800  }
0x211: {  	[spmem:s4] =	stream.indirect.scatter.add.f32 [tilespmem:s24], [sflag:$0x7], $0x1, s19, s16, $0xb8;
	[tilespmem:$0x1E480] =	vst v63  }
0x212: {  	s7 =	smov.u32 s9;
	_ =	swait.ge [sflag:s0], $0x50  }
0x213: {  	s2 =	sadd.s32 s8, s20;
	s31 =	sadd.s32 $0xF0, s31;
	[sflag:s0] =	ssyncset.done $0x0  }
.Ltmp7:
0x214: {  	_ = 	snop;
	(pc) =	sbr.rel .LBB2_6-.Ltmp7, $1  }
0x215: {  	_ =	sdelay $0x3  }
.LBB2_11:
0x216: {  	_ =	sfence.sel $0x180000  }
0x217: {  	[bflag:$0x0] =	sbarrier.arrive $0xFFFF  }
0x218: {  	_ =	strace $0x90000047  }
0x219: {  	s0 =	stileid.u32;
	[bflag:$0x2] =	sbarrier.arrive $0xFFFF  }
0x21a: {  	p0 =	sne.s32 s0, $0x0;
	s0 =	rddreg [dreg:$0x5]  }
0x21b: {  	s0 =	sadd.s32 @!p0 $0x100000, s0  }
0x21c: {  	[sflag:s0] =	ssyncadd.tile.s32 @!p0 $0x1;
	_ =	shalt  }
.Lfunc_end2:
_tile_overlayer_lowered:
.L_overlay_start_2:
0x21d: {  	(tag) =	ssettag $0x2  }
0x21e: {  	s0 =	rddreg [dreg:$0x0];
	s2 =	stileid.u32  }
0x21f: {  	s1 =	rddreg [dreg:$0x1];
	p0 =	sne.s32 s2, $0x0  }
0x220: {  	s3 =	rddreg [dreg:$0x2];
	[bflag:$0x3] =	sbarrier.arrive $0xFFFF;
	s2 =	simm.s32 @!p0 $0x1C07  }
0x221: {  	[timem:s3], [sflag:s2] =	dma.local @!p0 [hbm:s0], s1  }
0x222: {  	s0 =	simm.s32 @!p0 $0x7  }
0x223: {  	_ =	swait.ge @!p0 [sflag:s0], s1  }
0x224: {  	s1 =	ssub.s32 @!p0 $0x0, s1;
	[sflag:s0] =	ssyncset.done @!p0 $0x0  }
0x225: {  	[sflag:s0] =	ssyncadd.s32 @!p0 s1  }
0x226: {  	[bflag:$0x3] =	sbarrier.arrive $0xFFFF  }
0x227: {  	_ =	shalt  }

</sc_bundles>
